<compile_context>
chip_gen: v7x
topology: tpu7x:2x2x1
jax: 0.10.2.dev20260603
libtpu: 0.0.44.dev20260713+nightly
codegen_flags: <defaults>
</compile_context>

<pallas_src>
import functools

import jax
import jax.numpy as jnp
from jax import lax
from jax.experimental import pallas as pl
from jax.experimental.pallas import tpu as pltpu
from jax.experimental.pallas import tpu_sc as plsc

E = 8
D = 768
F = 3072
S = 2048
T = 128
FC = 2
FCH = F // FC
NT = S // T + E
L = NT * T

_NC, _NS = 2, 16
NW = _NC * _NS
CHUNK = S // NW


def _gate_kernel(x_ref, gw_ref, gb_ref, pos_ref, meta_ref):
    x = x_ref[...]
    logits = jnp.dot(x, gw_ref[...], preferred_element_type=jnp.float32)
    logits = logits + gb_ref[...]
    idx8 = lax.broadcasted_iota(jnp.int32, (S, E), 1)
    m = jnp.max(logits, axis=1, keepdims=True)
    expert = jnp.min(jnp.where(logits == m, idx8, E), axis=1, keepdims=True)
    oh = (idx8 == expert).astype(jnp.int32)
    c = oh
    k = 1
    while k < S:
        c = c + jnp.concatenate(
            [jnp.zeros((k, E), jnp.int32), c[: S - k, :]], axis=0)
        k *= 2
    rank = jnp.sum(oh * (c - oh), axis=1, keepdims=True)
    counts = c[S - 1 : S, :]
    tiles = (counts + (T - 1)) // T
    tend = tiles
    k = 1
    while k < E:
        tend = tend + jnp.concatenate(
            [jnp.zeros((1, k), jnp.int32), tend[:, : E - k]], axis=1)
        k *= 2
    tstart_rows = (tend - tiles) * T
    pos_ref[...] = rank + jnp.sum(oh * tstart_rows, axis=1, keepdims=True)
    meta_ref[...] = jnp.concatenate(
        [tend, jnp.zeros((1, 64 - E), jnp.int32)], axis=1)


def _gate_route(x2, gate_W, gate_b):
    pos2, meta = pl.pallas_call(
        _gate_kernel,
        out_shape=[
            jax.ShapeDtypeStruct((S, 1), jnp.int32),
            jax.ShapeDtypeStruct((1, 64), jnp.int32),
        ],
    )(x2, gate_W, gate_b.reshape(1, E))
    return pos2.reshape(S), meta.reshape(64)


def _make_sc_permute(gather: bool, n_rows_out: int):
    mesh = plsc.VectorSubcoreMesh(
        core_axis_name="c", subcore_axis_name="s",
        num_cores=_NC, num_subcores=_NS)

    @functools.partial(
        pl.kernel,
        mesh=mesh,
        out_type=jax.ShapeDtypeStruct((n_rows_out, D), jnp.float32),
        scratch_types=[
            pltpu.VMEM((CHUNK,), jnp.int32),
            pltpu.VMEM((CHUNK, D), jnp.float32),
            pltpu.SemaphoreType.DMA,
        ],
    )
    def body(src_hbm, pos_hbm, out_hbm, idx_v, rows_v, sem):
        wid = lax.axis_index("s") * _NC + lax.axis_index("c")
        base = wid * CHUNK
        pltpu.sync_copy(pos_hbm.at[pl.ds(base, CHUNK)], idx_v)
        if gather:
            pltpu.async_copy(src_hbm.at[idx_v], rows_v, sem).wait()
            pltpu.sync_copy(rows_v, out_hbm.at[pl.ds(base, CHUNK)])
        else:
            pltpu.sync_copy(src_hbm.at[pl.ds(base, CHUNK)], rows_v)
            pltpu.async_copy(rows_v, out_hbm.at[idx_v], sem).wait()

    return body


_sc_cache = {}


def _sc_scatter(x2, pos):
    if "scatter" not in _sc_cache:
        _sc_cache["scatter"] = _make_sc_permute(gather=False, n_rows_out=L)
    return _sc_cache["scatter"](x2, pos)


def _sc_gather(ys, pos):
    if "gather" not in _sc_cache:
        _sc_cache["gather"] = _make_sc_permute(gather=True, n_rows_out=S)
    return _sc_cache["gather"](ys, pos)


def _ffn_kernel(tend_ref, xs_ref, w1_ref, b1_ref, w2_ref, b2_ref, out_ref):
    e = pl.program_id(0)
    j = pl.program_id(1)
    t0 = jnp.where(e == 0, 0, tend_ref[jnp.maximum(e - 1, 0)])
    t1 = tend_ref[e]

    def tile(t, add):
        xt = xs_ref[pl.ds(t * T, T), :]
        h = jnp.dot(xt, w1_ref[0], preferred_element_type=jnp.float32)
        h = jnp.maximum(h + b1_ref[0], 0.0)
        p = jnp.dot(h, w2_ref[0], preferred_element_type=jnp.float32)
        if add:
            out_ref[pl.ds(t * T, T), :] += p
        else:
            out_ref[pl.ds(t * T, T), :] = p + b2_ref[0]
        return 0

    @pl.when(j == 0)
    def _():
        lax.fori_loop(t0, t1, lambda t, c: tile(t, False), 0)

    @pl.when(j != 0)
    def _():
        lax.fori_loop(t0, t1, lambda t, c: tile(t, True), 0)


def _ffn(tend, xs, W1, b1, W2, b2):
    grid_spec = pltpu.PrefetchScalarGridSpec(
        num_scalar_prefetch=1,
        grid=(E, FC),
        in_specs=[
            pl.BlockSpec((L, D), lambda e, j, td: (0, 0)),
            pl.BlockSpec((1, D, FCH), lambda e, j, td: (e, 0, j)),
            pl.BlockSpec((1, 1, FCH), lambda e, j, td: (e, 0, j)),
            pl.BlockSpec((1, FCH, D), lambda e, j, td: (e, j, 0)),
            pl.BlockSpec((1, 1, D), lambda e, j, td: (e, 0, 0)),
        ],
        out_specs=pl.BlockSpec((L, D), lambda e, j, td: (0, 0)),
    )
    return pl.pallas_call(
        _ffn_kernel,
        grid_spec=grid_spec,
        out_shape=jax.ShapeDtypeStruct((L, D), jnp.float32),
    )(tend, xs, W1, b1.reshape(E, 1, F), W2, b2.reshape(E, 1, D))


def kernel(x, gate_W, gate_b, W1, b1, W2, b2):
    x2 = x.reshape(S, D)
    pos, meta = _gate_route(x2, gate_W, gate_b)
    tend = meta[:E]
    xs = _sc_scatter(x2, pos)
    ys = _ffn(tend, xs, W1, b1, W2, b2)
    out = _sc_gather(ys, pos)
    return out.reshape(1, S, D)

# --- scband reference (transcript-rebuilt; emitter-appended) ---
"""Pipeline reference for scband-mo-elayer-1013612282518 (READ-ONLY COPY).

The authoritative reference and input builder live on the scoring server;
editing this copy changes nothing except your own understanding.
"""

import jax, jax.numpy as jnp
import numpy as np

NUM_EXPERTS = 8
D_MODEL = 768
D_FF = 3072
B, S = 1, 2048


def setup_inputs(seed: int = 0) -> dict:
    key = jax.random.key(seed)
    ks = jax.random.split(key, 8)
    x = jax.random.normal(ks[0], (B, S, D_MODEL), dtype=jnp.float32)
    gate_W = jax.random.normal(ks[1], (D_MODEL, NUM_EXPERTS), dtype=jnp.float32) * 0.02
    gate_b = jnp.zeros((NUM_EXPERTS,), dtype=jnp.float32)
    W1 = jax.random.normal(ks[2], (NUM_EXPERTS, D_MODEL, D_FF), dtype=jnp.float32) * 0.02
    b1 = jnp.zeros((NUM_EXPERTS, D_FF), dtype=jnp.float32)
    W2 = jax.random.normal(ks[3], (NUM_EXPERTS, D_FF, D_MODEL), dtype=jnp.float32) * 0.02
    b2 = jnp.zeros((NUM_EXPERTS, D_MODEL), dtype=jnp.float32)
    return {"x": x, "gate_W": gate_W, "gate_b": gate_b, "W1": W1, "b1": b1, "W2": W2, "b2": b2}


def reference(x, gate_W, gate_b, W1, b1, W2, b2):
    num_experts = gate_W.shape[1]
    # gate
    gate_logits = jnp.einsum('bsd,de->bse', x, gate_W) + gate_b
    gate_probs = jax.nn.softmax(gate_logits, axis=-1)
    # topk(1) indices == argmax
    top_k_indices = jnp.argmax(gate_probs, axis=-1)  # [B, S]
    mask = jax.nn.one_hot(top_k_indices, num_experts, dtype=x.dtype)  # [B, S, E]
    # run every expert on all tokens (dense MoE, as in the torch module)
    h = jnp.einsum('bsd,edf->ebsf', x, W1) + b1[:, None, None, :]
    h = jax.nn.relu(h)
    expert_outputs = jnp.einsum('ebsf,efd->ebsd', h, W2) + b2[:, None, None, :]  # [E, B, S, D]
    expert_outputs = jnp.transpose(expert_outputs, (1, 2, 0, 3))  # [B, S, E, D]
    mask = mask[..., None]  # [B, S, E, 1]
    output = (expert_outputs * mask).sum(axis=2)  # [B, S, D]
    return output

if __name__ == "__main__":
    import jax
    _d = setup_inputs()
    print(jax.jit(kernel)(*tuple(_d.values())))

</pallas_src>

<mosaic_0001>
#map = affine_map<(d0, d1) -> (0, 0)>
#map1 = affine_map<(d0, d1) -> (0)>
module attributes {stable_mosaic.version = 14 : i64} {
  func.func @body(%arg0: i32, %arg1: i32, %arg2: memref<3072x768xf32, #tpu.memory_space<hbm>>, %arg3: memref<2048xi32, #tpu.memory_space<hbm>>, %arg4: memref<2048x768xf32, #tpu.memory_space<hbm>>, %arg5: memref<64xi32, #tpu.memory_space<vmem>>, %arg6: memref<64x768xf32, #tpu.memory_space<vmem>>, %arg7: memref<!tpu.dma_semaphore, #tpu.memory_space<semaphore_mem>>) attributes {dimension_semantics = [#tpu.dimension_semantics<core_parallel>, #tpu.dimension_semantics<subcore_parallel>], iteration_bounds = array<i64: 2, 16>, scalar_prefetch = 0 : i64, scratch_operands = 3 : i64, tpu.core_type = #tpu.core_type<sc_vector_subcore>, window_params = [{transform_indices = #map}, {transform_indices = #map1}, {transform_indices = #map}]} {
    %mul3A = arith.constant 2 : i32
    %mul3A_0 = arith.muli %arg1, %mul3A : i32
    %add3A = arith.addi %mul3A_0, %arg0 : i32
    %mul3A_1 = arith.constant 64 : i32
    %mul3A_2 = arith.muli %add3A, %mul3A_1 : i32
    "tpu.region"() ({
      %run_scoped3A = tpu.sem_alloc : memref<!tpu.dma_semaphore, #tpu.memory_space<semaphore_mem>>
      %dma_start3A_7 = tpu.memref_slice %arg3[%mul3A_2] : memref<2048xi32, #tpu.memory_space<hbm>> -> memref<64xi32, #tpu.memory_space<hbm>>
      %dma_start3A_8 = tpu.memref_slice %arg3[%mul3A_2] : memref<2048xi32, #tpu.memory_space<hbm>> -> memref<64xi32, #tpu.memory_space<hbm>>
      tpu.enqueue_dma source(%dma_start3A_8 : memref<64xi32, #tpu.memory_space<hbm>>) target(%arg5 : memref<64xi32, #tpu.memory_space<vmem>>) target_semaphore(%run_scoped3A : memref<!tpu.dma_semaphore, #tpu.memory_space<semaphore_mem>>)
      %dma_wait3A_9 = tpu.memref_slice %arg3[%mul3A_2] : memref<2048xi32, #tpu.memory_space<hbm>> -> memref<64xi32, #tpu.memory_space<hbm>>
      %dma_wait3A_10 = tpu.memref_slice %arg3[%mul3A_2] : memref<2048xi32, #tpu.memory_space<hbm>> -> memref<64xi32, #tpu.memory_space<hbm>>
      tpu.wait_dma2 semaphore(%run_scoped3A : memref<!tpu.dma_semaphore, #tpu.memory_space<semaphore_mem>>) src(%dma_wait3A_10 : memref<64xi32, #tpu.memory_space<hbm>>) dst(%arg5 : memref<64xi32, #tpu.memory_space<vmem>>)
      tpu.yield
    }) : () -> ()
    %dma_start3A = arith.constant 0 : i32
    %dma_start3A_3 = arith.constant 0 : i32
    %dma_start3A_4 = tpu.memref_slice %arg2[%dma_start3A, %dma_start3A_3] : memref<3072x768xf32, #tpu.memory_space<hbm>> -> memref<3072x768xf32, #tpu.memory_space<hbm>>
    tpu.enqueue_indirect_dma source(%dma_start3A_4 : memref<3072x768xf32, #tpu.memory_space<hbm>>) target(%arg6 : memref<64x768xf32, #tpu.memory_space<vmem>>) offsets(%arg5 : memref<64xi32, #tpu.memory_space<vmem>>) semaphore(%arg7 : memref<!tpu.dma_semaphore, #tpu.memory_space<semaphore_mem>>)
    %dma_wait3A = arith.constant 0 : i32
    %dma_wait3A_5 = arith.constant 0 : i32
    %dma_wait3A_6 = tpu.memref_slice %arg2[%dma_wait3A, %dma_wait3A_5] : memref<3072x768xf32, #tpu.memory_space<hbm>> -> memref<3072x768xf32, #tpu.memory_space<hbm>>
    tpu.wait_indirect_dma semaphore(%arg7 : memref<!tpu.dma_semaphore, #tpu.memory_space<semaphore_mem>>) src(%dma_wait3A_6 : memref<3072x768xf32, #tpu.memory_space<hbm>>) dst(%arg6 : memref<64x768xf32, #tpu.memory_space<vmem>>)
    "tpu.region"() ({
      %run_scoped3A = tpu.sem_alloc : memref<!tpu.dma_semaphore, #tpu.memory_space<semaphore_mem>>
      %dma_start3A_7 = arith.constant 0 : i32
      %dma_start3A_8 = tpu.memref_slice %arg4[%mul3A_2, %dma_start3A_7] : memref<2048x768xf32, #tpu.memory_space<hbm>> -> memref<64x768xf32, #tpu.memory_space<hbm>>
      %dma_start3A_9 = arith.constant 0 : i32
      %dma_start3A_10 = tpu.memref_slice %arg4[%mul3A_2, %dma_start3A_9] : memref<2048x768xf32, #tpu.memory_space<hbm>> -> memref<64x768xf32, #tpu.memory_space<hbm>>
      tpu.enqueue_dma source(%arg6 : memref<64x768xf32, #tpu.memory_space<vmem>>) target(%dma_start3A_10 : memref<64x768xf32, #tpu.memory_space<hbm>>) target_semaphore(%run_scoped3A : memref<!tpu.dma_semaphore, #tpu.memory_space<semaphore_mem>>)
      %dma_wait3A_11 = arith.constant 0 : i32
      %dma_wait3A_12 = tpu.memref_slice %arg4[%mul3A_2, %dma_wait3A_11] : memref<2048x768xf32, #tpu.memory_space<hbm>> -> memref<64x768xf32, #tpu.memory_space<hbm>>
      %dma_wait3A_13 = arith.constant 0 : i32
      %dma_wait3A_14 = tpu.memref_slice %arg4[%mul3A_2, %dma_wait3A_13] : memref<2048x768xf32, #tpu.memory_space<hbm>> -> memref<64x768xf32, #tpu.memory_space<hbm>>
      tpu.wait_dma2 semaphore(%run_scoped3A : memref<!tpu.dma_semaphore, #tpu.memory_space<semaphore_mem>>) src(%arg6 : memref<64x768xf32, #tpu.memory_space<vmem>>) dst(%dma_wait3A_14 : memref<64x768xf32, #tpu.memory_space<hbm>>)
      tpu.yield
    }) : () -> ()
    return
  }
}

#map = affine_map<(d0, d1) -> (0, 0)>
#map1 = affine_map<(d0, d1) -> (0)>
module attributes {stable_mosaic.version = 14 : i64} {
  func.func @body(%arg0: i32, %arg1: i32, %arg2: memref<2048x768xf32, #tpu.memory_space<hbm>>, %arg3: memref<2048xi32, #tpu.memory_space<hbm>>, %arg4: memref<3072x768xf32, #tpu.memory_space<hbm>>, %arg5: memref<64xi32, #tpu.memory_space<vmem>>, %arg6: memref<64x768xf32, #tpu.memory_space<vmem>>, %arg7: memref<!tpu.dma_semaphore, #tpu.memory_space<semaphore_mem>>) attributes {dimension_semantics = [#tpu.dimension_semantics<core_parallel>, #tpu.dimension_semantics<subcore_parallel>], iteration_bounds = array<i64: 2, 16>, scalar_prefetch = 0 : i64, scratch_operands = 3 : i64, tpu.core_type = #tpu.core_type<sc_vector_subcore>, window_params = [{transform_indices = #map}, {transform_indices = #map1}, {transform_indices = #map}]} {
    %mul3A = arith.constant 2 : i32
    %mul3A_0 = arith.muli %arg1, %mul3A : i32
    %add3A = arith.addi %mul3A_0, %arg0 : i32
    %mul3A_1 = arith.constant 64 : i32
    %mul3A_2 = arith.muli %add3A, %mul3A_1 : i32
    "tpu.region"() ({
      %run_scoped3A = tpu.sem_alloc : memref<!tpu.dma_semaphore, #tpu.memory_space<semaphore_mem>>
      %dma_start3A_7 = tpu.memref_slice %arg3[%mul3A_2] : memref<2048xi32, #tpu.memory_space<hbm>> -> memref<64xi32, #tpu.memory_space<hbm>>
      %dma_start3A_8 = tpu.memref_slice %arg3[%mul3A_2] : memref<2048xi32, #tpu.memory_space<hbm>> -> memref<64xi32, #tpu.memory_space<hbm>>
      tpu.enqueue_dma source(%dma_start3A_8 : memref<64xi32, #tpu.memory_space<hbm>>) target(%arg5 : memref<64xi32, #tpu.memory_space<vmem>>) target_semaphore(%run_scoped3A : memref<!tpu.dma_semaphore, #tpu.memory_space<semaphore_mem>>)
      %dma_wait3A_9 = tpu.memref_slice %arg3[%mul3A_2] : memref<2048xi32, #tpu.memory_space<hbm>> -> memref<64xi32, #tpu.memory_space<hbm>>
      %dma_wait3A_10 = tpu.memref_slice %arg3[%mul3A_2] : memref<2048xi32, #tpu.memory_space<hbm>> -> memref<64xi32, #tpu.memory_space<hbm>>
      tpu.wait_dma2 semaphore(%run_scoped3A : memref<!tpu.dma_semaphore, #tpu.memory_space<semaphore_mem>>) src(%dma_wait3A_10 : memref<64xi32, #tpu.memory_space<hbm>>) dst(%arg5 : memref<64xi32, #tpu.memory_space<vmem>>)
      tpu.yield
    }) : () -> ()
    "tpu.region"() ({
      %run_scoped3A = tpu.sem_alloc : memref<!tpu.dma_semaphore, #tpu.memory_space<semaphore_mem>>
      %dma_start3A_7 = arith.constant 0 : i32
      %dma_start3A_8 = tpu.memref_slice %arg2[%mul3A_2, %dma_start3A_7] : memref<2048x768xf32, #tpu.memory_space<hbm>> -> memref<64x768xf32, #tpu.memory_space<hbm>>
      %dma_start3A_9 = arith.constant 0 : i32
      %dma_start3A_10 = tpu.memref_slice %arg2[%mul3A_2, %dma_start3A_9] : memref<2048x768xf32, #tpu.memory_space<hbm>> -> memref<64x768xf32, #tpu.memory_space<hbm>>
      tpu.enqueue_dma source(%dma_start3A_10 : memref<64x768xf32, #tpu.memory_space<hbm>>) target(%arg6 : memref<64x768xf32, #tpu.memory_space<vmem>>) target_semaphore(%run_scoped3A : memref<!tpu.dma_semaphore, #tpu.memory_space<semaphore_mem>>)
      %dma_wait3A_11 = arith.constant 0 : i32
      %dma_wait3A_12 = tpu.memref_slice %arg2[%mul3A_2, %dma_wait3A_11] : memref<2048x768xf32, #tpu.memory_space<hbm>> -> memref<64x768xf32, #tpu.memory_space<hbm>>
      %dma_wait3A_13 = arith.constant 0 : i32
      %dma_wait3A_14 = tpu.memref_slice %arg2[%mul3A_2, %dma_wait3A_13] : memref<2048x768xf32, #tpu.memory_space<hbm>> -> memref<64x768xf32, #tpu.memory_space<hbm>>
      tpu.wait_dma2 semaphore(%run_scoped3A : memref<!tpu.dma_semaphore, #tpu.memory_space<semaphore_mem>>) src(%dma_wait3A_14 : memref<64x768xf32, #tpu.memory_space<hbm>>) dst(%arg6 : memref<64x768xf32, #tpu.memory_space<vmem>>)
      tpu.yield
    }) : () -> ()
    %dma_start3A = arith.constant 0 : i32
    %dma_start3A_3 = arith.constant 0 : i32
    %dma_start3A_4 = tpu.memref_slice %arg4[%dma_start3A, %dma_start3A_3] : memref<3072x768xf32, #tpu.memory_space<hbm>> -> memref<3072x768xf32, #tpu.memory_space<hbm>>
    tpu.enqueue_indirect_dma source(%arg6 : memref<64x768xf32, #tpu.memory_space<vmem>>) target(%dma_start3A_4 : memref<3072x768xf32, #tpu.memory_space<hbm>>) offsets(%arg5 : memref<64xi32, #tpu.memory_space<vmem>>) semaphore(%arg7 : memref<!tpu.dma_semaphore, #tpu.memory_space<semaphore_mem>>)
    %dma_wait3A = arith.constant 0 : i32
    %dma_wait3A_5 = arith.constant 0 : i32
    %dma_wait3A_6 = tpu.memref_slice %arg4[%dma_wait3A, %dma_wait3A_5] : memref<3072x768xf32, #tpu.memory_space<hbm>> -> memref<3072x768xf32, #tpu.memory_space<hbm>>
    tpu.wait_indirect_dma semaphore(%arg7 : memref<!tpu.dma_semaphore, #tpu.memory_space<semaphore_mem>>) src(%arg6 : memref<64x768xf32, #tpu.memory_space<vmem>>) dst(%dma_wait3A_6 : memref<3072x768xf32, #tpu.memory_space<hbm>>)
    return
  }
}

module attributes {stable_mosaic.version = 14 : i64} {
  func.func @_gate_kernel(%arg0: memref<2048x768xf32, #tpu.memory_space<vmem>>, %arg1: memref<768x8xf32, #tpu.memory_space<vmem>>, %arg2: memref<1x8xf32, #tpu.memory_space<vmem>>, %arg3: memref<2048x1xi32, #tpu.memory_space<vmem>>, %arg4: memref<1x64xi32, #tpu.memory_space<vmem>>) attributes {dimension_semantics = [], scalar_prefetch = 0 : i64, scratch_operands = 0 : i64, tpu.core_type = #tpu.core_type<tc>} {
    %get3A = arith.constant 0 : index
    %get3A_0 = arith.constant 0 : index
    %get3A_1 = vector.load %arg0[%get3A, %get3A_0] : memref<2048x768xf32, #tpu.memory_space<vmem>>, vector<2048x768xf32>
    %get3A_2 = arith.constant 0 : index
    %get3A_3 = arith.constant 0 : index
    %get3A_4 = vector.load %arg1[%get3A_2, %get3A_3] : memref<768x8xf32, #tpu.memory_space<vmem>>, vector<768x8xf32>
    %dot_general3A = arith.constant dense<0.000000e+00> : vector<2048x8xf32>
    %dot_general3A_5 = tpu.matmul %get3A_1, %get3A_4, %dot_general3A {dimension_numbers = #tpu.dot_dimension_numbers<[1], [0], [0], [1], [0, 0, 1, 1], [], []>, transpose_lhs_hint = false} : vector<2048x768xf32>, vector<768x8xf32>, vector<2048x8xf32> -> vector<2048x8xf32>
    %get3A_6 = arith.constant 0 : index
    %get3A_7 = arith.constant 0 : index
    %get3A_8 = vector.load %arg2[%get3A_6, %get3A_7] : memref<1x8xf32, #tpu.memory_space<vmem>>, vector<1x8xf32>
    %add3A = vector.broadcast %get3A_8 : vector<1x8xf32> to vector<2048x8xf32>
    %add3A_9 = arith.addf %dot_general3A_5, %add3A : vector<2048x8xf32>
    %iota3A = tpu.iota {dimensions = array<i32: 1>} : vector<2048x8xi32>
    %reduce_max3A = arith.constant dense<0xFF800000> : vector<2048xf32>
    %reduce_max3A_10 = vector.multi_reduction <maximumf>, %add3A_9, %reduce_max3A [1] : vector<2048x8xf32> to vector<2048xf32>
    %broadcast_in_dim3A = vector.shape_cast %reduce_max3A_10 : vector<2048xf32> to vector<2048x1xf32>
    %eq3A = vector.broadcast %broadcast_in_dim3A : vector<2048x1xf32> to vector<2048x8xf32>
    %eq3A_11 = arith.cmpf oeq, %add3A_9, %eq3A : vector<2048x8xf32>
    %jit3A = arith.constant 8 : i32
    %broadcast_in_dim3A_12 = vector.broadcast %jit3A : i32 to vector<2048x8xi32>
    %select_n3A = arith.select %eq3A_11, %iota3A, %broadcast_in_dim3A_12 : vector<2048x8xi1>, vector<2048x8xi32>
    %reduce_min3A = arith.constant dense<2147483647> : vector<2048xi32>
    %reduce_min3A_13 = vector.multi_reduction <minsi>, %select_n3A, %reduce_min3A [1] : vector<2048x8xi32> to vector<2048xi32>
    %broadcast_in_dim3A_14 = vector.shape_cast %reduce_min3A_13 : vector<2048xi32> to vector<2048x1xi32>
    %eq3A_15 = vector.broadcast %broadcast_in_dim3A_14 : vector<2048x1xi32> to vector<2048x8xi32>
    %eq3A_16 = arith.cmpi eq, %iota3A, %eq3A_15 : vector<2048x8xi32>
    %convert_element_type3A = arith.extui %eq3A_16 : vector<2048x8xi1> to vector<2048x8xi32>
    %broadcast_in_dim3A_17 = arith.constant 0 : i32
    %broadcast_in_dim3A_18 = vector.broadcast %broadcast_in_dim3A_17 : i32 to vector<1x8xi32>
    %slice3A = vector.extract_strided_slice %convert_element_type3A {offsets = [0, 0], sizes = [2047, 8], strides = [1, 1]} : vector<2048x8xi32> to vector<2047x8xi32>
    %concatenate3A = tpu.concatenate %broadcast_in_dim3A_18, %slice3A in 0 : vector<1x8xi32>, vector<2047x8xi32> -> vector<2048x8xi32>
    %add3A_19 = arith.addi %convert_element_type3A, %concatenate3A : vector<2048x8xi32>
    %broadcast_in_dim3A_20 = arith.constant 0 : i32
    %broadcast_in_dim3A_21 = vector.broadcast %broadcast_in_dim3A_20 : i32 to vector<2x8xi32>
    %slice3A_22 = vector.extract_strided_slice %add3A_19 {offsets = [0, 0], sizes = [2046, 8], strides = [1, 1]} : vector<2048x8xi32> to vector<2046x8xi32>
    %concatenate3A_23 = tpu.concatenate %broadcast_in_dim3A_21, %slice3A_22 in 0 : vector<2x8xi32>, vector<2046x8xi32> -> vector<2048x8xi32>
    %add3A_24 = arith.addi %add3A_19, %concatenate3A_23 : vector<2048x8xi32>
    %broadcast_in_dim3A_25 = arith.constant 0 : i32
    %broadcast_in_dim3A_26 = vector.broadcast %broadcast_in_dim3A_25 : i32 to vector<4x8xi32>
    %slice3A_27 = vector.extract_strided_slice %add3A_24 {offsets = [0, 0], sizes = [2044, 8], strides = [1, 1]} : vector<2048x8xi32> to vector<2044x8xi32>
    %concatenate3A_28 = tpu.concatenate %broadcast_in_dim3A_26, %slice3A_27 in 0 : vector<4x8xi32>, vector<2044x8xi32> -> vector<2048x8xi32>
    %add3A_29 = arith.addi %add3A_24, %concatenate3A_28 : vector<2048x8xi32>
    %broadcast_in_dim3A_30 = arith.constant 0 : i32
    %broadcast_in_dim3A_31 = vector.broadcast %broadcast_in_dim3A_30 : i32 to vector<8x8xi32>
    %slice3A_32 = vector.extract_strided_slice %add3A_29 {offsets = [0, 0], sizes = [2040, 8], strides = [1, 1]} : vector<2048x8xi32> to vector<2040x8xi32>
    %concatenate3A_33 = tpu.concatenate %broadcast_in_dim3A_31, %slice3A_32 in 0 : vector<8x8xi32>, vector<2040x8xi32> -> vector<2048x8xi32>
    %add3A_34 = arith.addi %add3A_29, %concatenate3A_33 : vector<2048x8xi32>
    %broadcast_in_dim3A_35 = arith.constant 0 : i32
    %broadcast_in_dim3A_36 = vector.broadcast %broadcast_in_dim3A_35 : i32 to vector<16x8xi32>
    %slice3A_37 = vector.extract_strided_slice %add3A_34 {offsets = [0, 0], sizes = [2032, 8], strides = [1, 1]} : vector<2048x8xi32> to vector<2032x8xi32>
    %concatenate3A_38 = tpu.concatenate %broadcast_in_dim3A_36, %slice3A_37 in 0 : vector<16x8xi32>, vector<2032x8xi32> -> vector<2048x8xi32>
    %add3A_39 = arith.addi %add3A_34, %concatenate3A_38 : vector<2048x8xi32>
    %broadcast_in_dim3A_40 = arith.constant 0 : i32
    %broadcast_in_dim3A_41 = vector.broadcast %broadcast_in_dim3A_40 : i32 to vector<32x8xi32>
    %slice3A_42 = vector.extract_strided_slice %add3A_39 {offsets = [0, 0], sizes = [2016, 8], strides = [1, 1]} : vector<2048x8xi32> to vector<2016x8xi32>
    %concatenate3A_43 = tpu.concatenate %broadcast_in_dim3A_41, %slice3A_42 in 0 : vector<32x8xi32>, vector<2016x8xi32> -> vector<2048x8xi32>
    %add3A_44 = arith.addi %add3A_39, %concatenate3A_43 : vector<2048x8xi32>
    %broadcast_in_dim3A_45 = arith.constant 0 : i32
    %broadcast_in_dim3A_46 = vector.broadcast %broadcast_in_dim3A_45 : i32 to vector<64x8xi32>
    %slice3A_47 = vector.extract_strided_slice %add3A_44 {offsets = [0, 0], sizes = [1984, 8], strides = [1, 1]} : vector<2048x8xi32> to vector<1984x8xi32>
    %concatenate3A_48 = tpu.concatenate %broadcast_in_dim3A_46, %slice3A_47 in 0 : vector<64x8xi32>, vector<1984x8xi32> -> vector<2048x8xi32>
    %add3A_49 = arith.addi %add3A_44, %concatenate3A_48 : vector<2048x8xi32>
    %broadcast_in_dim3A_50 = arith.constant 0 : i32
    %broadcast_in_dim3A_51 = vector.broadcast %broadcast_in_dim3A_50 : i32 to vector<128x8xi32>
    %slice3A_52 = vector.extract_strided_slice %add3A_49 {offsets = [0, 0], sizes = [1920, 8], strides = [1, 1]} : vector<2048x8xi32> to vector<1920x8xi32>
    %concatenate3A_53 = tpu.concatenate %broadcast_in_dim3A_51, %slice3A_52 in 0 : vector<128x8xi32>, vector<1920x8xi32> -> vector<2048x8xi32>
    %add3A_54 = arith.addi %add3A_49, %concatenate3A_53 : vector<2048x8xi32>
    %broadcast_in_dim3A_55 = arith.constant 0 : i32
    %broadcast_in_dim3A_56 = vector.broadcast %broadcast_in_dim3A_55 : i32 to vector<256x8xi32>
    %slice3A_57 = vector.extract_strided_slice %add3A_54 {offsets = [0, 0], sizes = [1792, 8], strides = [1, 1]} : vector<2048x8xi32> to vector<1792x8xi32>
    %concatenate3A_58 = tpu.concatenate %broadcast_in_dim3A_56, %slice3A_57 in 0 : vector<256x8xi32>, vector<1792x8xi32> -> vector<2048x8xi32>
    %add3A_59 = arith.addi %add3A_54, %concatenate3A_58 : vector<2048x8xi32>
    %broadcast_in_dim3A_60 = arith.constant 0 : i32
    %broadcast_in_dim3A_61 = vector.broadcast %broadcast_in_dim3A_60 : i32 to vector<512x8xi32>
    %slice3A_62 = vector.extract_strided_slice %add3A_59 {offsets = [0, 0], sizes = [1536, 8], strides = [1, 1]} : vector<2048x8xi32> to vector<1536x8xi32>
    %concatenate3A_63 = tpu.concatenate %broadcast_in_dim3A_61, %slice3A_62 in 0 : vector<512x8xi32>, vector<1536x8xi32> -> vector<2048x8xi32>
    %add3A_64 = arith.addi %add3A_59, %concatenate3A_63 : vector<2048x8xi32>
    %broadcast_in_dim3A_65 = arith.constant 0 : i32
    %broadcast_in_dim3A_66 = vector.broadcast %broadcast_in_dim3A_65 : i32 to vector<1024x8xi32>
    %slice3A_67 = vector.extract_strided_slice %add3A_64 {offsets = [0, 0], sizes = [1024, 8], strides = [1, 1]} : vector<2048x8xi32> to vector<1024x8xi32>
    %concatenate3A_68 = tpu.concatenate %broadcast_in_dim3A_66, %slice3A_67 in 0 : vector<1024x8xi32>, vector<1024x8xi32> -> vector<2048x8xi32>
    %add3A_69 = arith.addi %add3A_64, %concatenate3A_68 : vector<2048x8xi32>
    %sub3A = arith.subi %add3A_69, %convert_element_type3A : vector<2048x8xi32>
    %mul3A = arith.muli %convert_element_type3A, %sub3A : vector<2048x8xi32>
    %reduce_sum3A = arith.constant dense<0> : vector<2048xi32>
    %reduce_sum3A_70 = vector.multi_reduction <add>, %mul3A, %reduce_sum3A [1] : vector<2048x8xi32> to vector<2048xi32>
    %broadcast_in_dim3A_71 = vector.shape_cast %reduce_sum3A_70 : vector<2048xi32> to vector<2048x1xi32>
    %slice3A_72 = vector.extract_strided_slice %add3A_69 {offsets = [2047, 0], sizes = [1, 8], strides = [1, 1]} : vector<2048x8xi32> to vector<1x8xi32>
    %add3A_73 = arith.constant 127 : i32
    %add3A_74 = vector.broadcast %add3A_73 : i32 to vector<1x8xi32>
    %add3A_75 = arith.addi %slice3A_72, %add3A_74 : vector<1x8xi32>
    %jit3A_76 = arith.constant 128 : i32
    %div3A = vector.broadcast %jit3A_76 : i32 to vector<1x8xi32>
    %div3A_77 = arith.divsi %add3A_75, %div3A : vector<1x8xi32>
    %sign3A = arith.constant 0 : i32
    %sign3A_78 = vector.broadcast %sign3A : i32 to vector<1x8xi32>
    %sign3A_79 = arith.cmpi sgt, %add3A_75, %sign3A_78 : vector<1x8xi32>
    %sign3A_80 = arith.extui %sign3A_79 : vector<1x8xi1> to vector<1x8xi32>
    %sign3A_81 = arith.constant 0 : i32
    %sign3A_82 = vector.broadcast %sign3A_81 : i32 to vector<1x8xi32>
    %sign3A_83 = arith.cmpi slt, %add3A_75, %sign3A_82 : vector<1x8xi32>
    %sign3A_84 = arith.extui %sign3A_83 : vector<1x8xi1> to vector<1x8xi32>
    %sign3A_85 = arith.subi %sign3A_80, %sign3A_84 : vector<1x8xi32>
    %sign3A_86 = arith.constant 0 : i32
    %sign3A_87 = arith.cmpi sgt, %jit3A_76, %sign3A_86 : i32
    %sign3A_88 = arith.extui %sign3A_87 : i1 to i32
    %sign3A_89 = arith.constant 0 : i32
    %sign3A_90 = arith.cmpi slt, %jit3A_76, %sign3A_89 : i32
    %sign3A_91 = arith.extui %sign3A_90 : i1 to i32
    %sign3A_92 = arith.subi %sign3A_88, %sign3A_91 : i32
    %ne3A = vector.broadcast %sign3A_92 : i32 to vector<1x8xi32>
    %ne3A_93 = arith.cmpi ne, %sign3A_85, %ne3A : vector<1x8xi32>
    %rem3A = vector.broadcast %jit3A_76 : i32 to vector<1x8xi32>
    %rem3A_94 = arith.remsi %add3A_75, %rem3A : vector<1x8xi32>
    %ne3A_95 = arith.constant 0 : i32
    %ne3A_96 = vector.broadcast %ne3A_95 : i32 to vector<1x8xi32>
    %ne3A_97 = arith.cmpi ne, %rem3A_94, %ne3A_96 : vector<1x8xi32>
    %and3A = arith.andi %ne3A_93, %ne3A_97 : vector<1x8xi1>
    %sub3A_98 = arith.constant 1 : i32
    %sub3A_99 = vector.broadcast %sub3A_98 : i32 to vector<1x8xi32>
    %sub3A_100 = arith.subi %div3A_77, %sub3A_99 : vector<1x8xi32>
    %select_n3A_101 = arith.select %and3A, %sub3A_100, %div3A_77 : vector<1x8xi1>, vector<1x8xi32>
    %broadcast_in_dim3A_102 = arith.constant 0 : i32
    %broadcast_in_dim3A_103 = vector.broadcast %broadcast_in_dim3A_102 : i32 to vector<1x1xi32>
    %slice3A_104 = vector.extract_strided_slice %select_n3A_101 {offsets = [0, 0], sizes = [1, 7], strides = [1, 1]} : vector<1x8xi32> to vector<1x7xi32>
    %concatenate3A_105 = tpu.concatenate %broadcast_in_dim3A_103, %slice3A_104 in 1 : vector<1x1xi32>, vector<1x7xi32> -> vector<1x8xi32>
    %add3A_106 = arith.addi %select_n3A_101, %concatenate3A_105 : vector<1x8xi32>
    %broadcast_in_dim3A_107 = arith.constant 0 : i32
    %broadcast_in_dim3A_108 = vector.broadcast %broadcast_in_dim3A_107 : i32 to vector<1x2xi32>
    %slice3A_109 = vector.extract_strided_slice %add3A_106 {offsets = [0, 0], sizes = [1, 6], strides = [1, 1]} : vector<1x8xi32> to vector<1x6xi32>
    %concatenate3A_110 = tpu.concatenate %broadcast_in_dim3A_108, %slice3A_109 in 1 : vector<1x2xi32>, vector<1x6xi32> -> vector<1x8xi32>
    %add3A_111 = arith.addi %add3A_106, %concatenate3A_110 : vector<1x8xi32>
    %broadcast_in_dim3A_112 = arith.constant 0 : i32
    %broadcast_in_dim3A_113 = vector.broadcast %broadcast_in_dim3A_112 : i32 to vector<1x4xi32>
    %slice3A_114 = vector.extract_strided_slice %add3A_111 {offsets = [0, 0], sizes = [1, 4], strides = [1, 1]} : vector<1x8xi32> to vector<1x4xi32>
    %concatenate3A_115 = tpu.concatenate %broadcast_in_dim3A_113, %slice3A_114 in 1 : vector<1x4xi32>, vector<1x4xi32> -> vector<1x8xi32>
    %add3A_116 = arith.addi %add3A_111, %concatenate3A_115 : vector<1x8xi32>
    %sub3A_117 = arith.subi %add3A_116, %select_n3A_101 : vector<1x8xi32>
    %mul3A_118 = arith.constant 128 : i32
    %mul3A_119 = vector.broadcast %mul3A_118 : i32 to vector<1x8xi32>
    %mul3A_120 = arith.muli %sub3A_117, %mul3A_119 : vector<1x8xi32>
    %mul3A_121 = vector.broadcast %mul3A_120 : vector<1x8xi32> to vector<2048x8xi32>
    %mul3A_122 = arith.muli %convert_element_type3A, %mul3A_121 : vector<2048x8xi32>
    %reduce_sum3A_123 = arith.constant dense<0> : vector<2048xi32>
    %reduce_sum3A_124 = vector.multi_reduction <add>, %mul3A_122, %reduce_sum3A_123 [1] : vector<2048x8xi32> to vector<2048xi32>
    %broadcast_in_dim3A_125 = vector.shape_cast %reduce_sum3A_124 : vector<2048xi32> to vector<2048x1xi32>
    %add3A_126 = arith.addi %broadcast_in_dim3A_71, %broadcast_in_dim3A_125 : vector<2048x1xi32>
    %swap3A = arith.constant 0 : index
    %swap3A_127 = arith.constant 0 : index
    %swap3A_128 = vector.load %arg3[%swap3A, %swap3A_127] : memref<2048x1xi32, #tpu.memory_space<vmem>>, vector<2048x1xi32>
    tpu.vector_store %arg3[%swap3A, %swap3A_127], %add3A_126 {strides = array<i32>} : memref<2048x1xi32, #tpu.memory_space<vmem>>, vector<2048x1xi32>,
    %broadcast_in_dim3A_129 = arith.constant 0 : i32
    %broadcast_in_dim3A_130 = vector.broadcast %broadcast_in_dim3A_129 : i32 to vector<1x56xi32>
    %concatenate3A_131 = tpu.concatenate %add3A_116, %broadcast_in_dim3A_130 in 1 : vector<1x8xi32>, vector<1x56xi32> -> vector<1x64xi32>
    %swap3A_132 = arith.constant 0 : index
    %swap3A_133 = arith.constant 0 : index
    %swap3A_134 = vector.load %arg4[%swap3A_132, %swap3A_133] : memref<1x64xi32, #tpu.memory_space<vmem>>, vector<1x64xi32>
    tpu.vector_store %arg4[%swap3A_132, %swap3A_133], %concatenate3A_131 {strides = array<i32>} : memref<1x64xi32, #tpu.memory_space<vmem>>, vector<1x64xi32>,
    return
  }
}

module attributes {stable_mosaic.version = 14 : i64} {
  func.func @_ffn_kernel(%arg0: i32, %arg1: i32, %arg2: memref<8xi32, #tpu.memory_space<smem>>, %arg3: memref<3072x768xf32, #tpu.memory_space<vmem>>, %arg4: memref<1x768x1536xf32, #tpu.memory_space<vmem>>, %arg5: memref<1x1x1536xf32, #tpu.memory_space<vmem>>, %arg6: memref<1x1536x768xf32, #tpu.memory_space<vmem>>, %arg7: memref<1x1x768xf32, #tpu.memory_space<vmem>>, %arg8: memref<3072x768xf32, #tpu.memory_space<vmem>>) attributes {dimension_semantics = [#tpu.dimension_semantics<arbitrary>, #tpu.dimension_semantics<arbitrary>], iteration_bounds = array<i64: 8, 2>, scalar_prefetch = 1 : i64, scratch_operands = 0 : i64, tpu.core_type = #tpu.core_type<tc>, window_params = [{pipeline_mode = #tpu.pipeline_mode<synchronous>, transform_indices = @transform_0, window_bounds = array<i64: 3072, 768>}, {transform_indices = @transform_1, window_bounds = array<i64: 1, 768, 1536>}, {transform_indices = @transform_2, window_bounds = array<i64: 1, 1, 1536>}, {transform_indices = @transform_3, window_bounds = array<i64: 1, 1536, 768>}, {transform_indices = @transform_4, window_bounds = array<i64: 1, 1, 768>}, {pipeline_mode = #tpu.pipeline_mode<synchronous>, transform_indices = @transform_5, window_bounds = array<i64: 3072, 768>}]} {
    %eq3A = arith.constant 0 : i32
    %eq3A_0 = arith.cmpi eq, %arg0, %eq3A : i32
    %sub3A = arith.constant 1 : i32
    %sub3A_1 = arith.subi %arg0, %sub3A : i32
    %max3A = arith.constant 0 : i32
    %max3A_2 = arith.maxsi %sub3A_1, %max3A : i32
    %get3A = arith.index_cast %max3A_2 : i32 to index
    %get3A_3 = memref.load %arg2[%get3A] : memref<8xi32, #tpu.memory_space<smem>>
    %jit3A = arith.constant 0 : i32
    %select_n3A = arith.select %eq3A_0, %jit3A, %get3A_3 : i32
    %get3A_4 = arith.index_cast %arg0 : i32 to index
    %get3A_5 = memref.load %arg2[%get3A_4] : memref<8xi32, #tpu.memory_space<smem>>
    %eq3A_6 = arith.constant 0 : i32
    %eq3A_7 = arith.cmpi eq, %arg1, %eq3A_6 : i32
    %convert_element_type3A = arith.extui %eq3A_7 : i1 to i32
    %cond3A = arith.constant 0 : i32
    %cond3A_8 = arith.cmpi ne, %convert_element_type3A, %cond3A : i32
    scf.if %cond3A_8 {
      %while3A = arith.constant 0 : i32
      %while3A_13 = arith.subi %get3A_5, %select_n3A : i32
      %while3A_14 = arith.addi %select_n3A, %while3A_13 : i32
      %while3A_15 = arith.constant 1 : i32
      %while3A_16 = arith.divsi %while3A_13, %while3A_15 : i32
      %while3A_17 = arith.muli %while3A_16, %while3A_15 : i32
      %while3A_18 = arith.addi %select_n3A, %while3A_17 : i32
      %while3A_19 = arith.constant 1 : i32
      %while3A_20 = scf.for %while3A_23 = %select_n3A to %while3A_18 step %while3A_19 iter_args(%while3A_24 = %while3A) -> (i32)  : i32 {
        %mul3A = arith.constant 128 : i32
        %mul3A_25 = arith.muli %while3A_23, %mul3A : i32
        %get3A_26 = arith.index_cast %mul3A_25 : i32 to index
        %get3A_27 = arith.constant 0 : index
        %get3A_28 = vector.load %arg3[%get3A_26, %get3A_27] : memref<3072x768xf32, #tpu.memory_space<vmem>>, vector<128x768xf32>
        %get3A_29 = arith.constant 0 : index
        %get3A_30 = arith.constant 0 : index
        %get3A_31 = arith.constant 0 : index
        %get3A_32 = vector.load %arg4[%get3A_29, %get3A_30, %get3A_31] : memref<1x768x1536xf32, #tpu.memory_space<vmem>>, vector<1x768x1536xf32>
        %get3A_33 = vector.shape_cast %get3A_32 : vector<1x768x1536xf32> to vector<768x1536xf32>
        %dot_general3A = arith.constant dense<0.000000e+00> : vector<128x1536xf32>
        %dot_general3A_34 = tpu.matmul %get3A_28, %get3A_33, %dot_general3A {dimension_numbers = #tpu.dot_dimension_numbers<[1], [0], [0], [1], [0, 0, 1, 1], [], []>, transpose_lhs_hint = false} : vector<128x768xf32>, vector<768x1536xf32>, vector<128x1536xf32> -> vector<128x1536xf32>
        %get3A_35 = arith.constant 0 : index
        %get3A_36 = arith.constant 0 : index
        %get3A_37 = arith.constant 0 : index
        %get3A_38 = vector.load %arg5[%get3A_35, %get3A_36, %get3A_37] : memref<1x1x1536xf32, #tpu.memory_space<vmem>>, vector<1x1x1536xf32>
        %get3A_39 = vector.shape_cast %get3A_38 : vector<1x1x1536xf32> to vector<1x1536xf32>
        %add3A = vector.broadcast %get3A_39 : vector<1x1536xf32> to vector<128x1536xf32>
        %add3A_40 = arith.addf %dot_general3A_34, %add3A : vector<128x1536xf32>
        %max3A_41 = arith.constant 0.000000e+00 : f32
        %max3A_42 = vector.broadcast %max3A_41 : f32 to vector<128x1536xf32>
        %max3A_43 = arith.maximumf %add3A_40, %max3A_42 : vector<128x1536xf32>
        %get3A_44 = arith.constant 0 : index
        %get3A_45 = arith.constant 0 : index
        %get3A_46 = arith.constant 0 : index
        %get3A_47 = vector.load %arg6[%get3A_44, %get3A_45, %get3A_46] : memref<1x1536x768xf32, #tpu.memory_space<vmem>>, vector<1x1536x768xf32>
        %get3A_48 = vector.shape_cast %get3A_47 : vector<1x1536x768xf32> to vector<1536x768xf32>
        %dot_general3A_49 = arith.constant dense<0.000000e+00> : vector<128x768xf32>
        %dot_general3A_50 = tpu.matmul %max3A_43, %get3A_48, %dot_general3A_49 {dimension_numbers = #tpu.dot_dimension_numbers<[1], [0], [0], [1], [0, 0, 1, 1], [], []>, transpose_lhs_hint = false} : vector<128x1536xf32>, vector<1536x768xf32>, vector<128x768xf32> -> vector<128x768xf32>
        %get3A_51 = arith.constant 0 : index
        %get3A_52 = arith.constant 0 : index
        %get3A_53 = arith.constant 0 : index
        %get3A_54 = vector.load %arg7[%get3A_51, %get3A_52, %get3A_53] : memref<1x1x768xf32, #tpu.memory_space<vmem>>, vector<1x1x768xf32>
        %get3A_55 = vector.shape_cast %get3A_54 : vector<1x1x768xf32> to vector<1x768xf32>
        %add3A_56 = vector.broadcast %get3A_55 : vector<1x768xf32> to vector<128x768xf32>
        %add3A_57 = arith.addf %dot_general3A_50, %add3A_56 : vector<128x768xf32>
        %mul3A_58 = arith.constant 128 : i32
        %mul3A_59 = arith.muli %while3A_23, %mul3A_58 : i32
        %swap3A = arith.index_cast %mul3A_59 : i32 to index
        %swap3A_60 = arith.constant 0 : index
        %swap3A_61 = vector.load %arg8[%swap3A, %swap3A_60] : memref<3072x768xf32, #tpu.memory_space<vmem>>, vector<128x768xf32>
        tpu.vector_store %arg8[%swap3A, %swap3A_60], %add3A_57 {strides = array<i32>} : memref<3072x768xf32, #tpu.memory_space<vmem>>, vector<128x768xf32>,
        %while3A_62 = arith.constant 0 : i32
        scf.yield %while3A_62 : i32
      }
      %while3A_21 = arith.constant 1 : i32
      %while3A_22 = scf.for %while3A_23 = %while3A_18 to %while3A_14 step %while3A_21 iter_args(%while3A_24 = %while3A_20) -> (i32)  : i32 {
        %mul3A = arith.constant 128 : i32
        %mul3A_25 = arith.muli %while3A_23, %mul3A : i32
        %get3A_26 = arith.index_cast %mul3A_25 : i32 to index
        %get3A_27 = arith.constant 0 : index
        %get3A_28 = vector.load %arg3[%get3A_26, %get3A_27] : memref<3072x768xf32, #tpu.memory_space<vmem>>, vector<128x768xf32>
        %get3A_29 = arith.constant 0 : index
        %get3A_30 = arith.constant 0 : index
        %get3A_31 = arith.constant 0 : index
        %get3A_32 = vector.load %arg4[%get3A_29, %get3A_30, %get3A_31] : memref<1x768x1536xf32, #tpu.memory_space<vmem>>, vector<1x768x1536xf32>
        %get3A_33 = vector.shape_cast %get3A_32 : vector<1x768x1536xf32> to vector<768x1536xf32>
        %dot_general3A = arith.constant dense<0.000000e+00> : vector<128x1536xf32>
        %dot_general3A_34 = tpu.matmul %get3A_28, %get3A_33, %dot_general3A {dimension_numbers = #tpu.dot_dimension_numbers<[1], [0], [0], [1], [0, 0, 1, 1], [], []>, transpose_lhs_hint = false} : vector<128x768xf32>, vector<768x1536xf32>, vector<128x1536xf32> -> vector<128x1536xf32>
        %get3A_35 = arith.constant 0 : index
        %get3A_36 = arith.constant 0 : index
        %get3A_37 = arith.constant 0 : index
        %get3A_38 = vector.load %arg5[%get3A_35, %get3A_36, %get3A_37] : memref<1x1x1536xf32, #tpu.memory_space<vmem>>, vector<1x1x1536xf32>
        %get3A_39 = vector.shape_cast %get3A_38 : vector<1x1x1536xf32> to vector<1x1536xf32>
        %add3A = vector.broadcast %get3A_39 : vector<1x1536xf32> to vector<128x1536xf32>
        %add3A_40 = arith.addf %dot_general3A_34, %add3A : vector<128x1536xf32>
        %max3A_41 = arith.constant 0.000000e+00 : f32
        %max3A_42 = vector.broadcast %max3A_41 : f32 to vector<128x1536xf32>
        %max3A_43 = arith.maximumf %add3A_40, %max3A_42 : vector<128x1536xf32>
        %get3A_44 = arith.constant 0 : index
        %get3A_45 = arith.constant 0 : index
        %get3A_46 = arith.constant 0 : index
        %get3A_47 = vector.load %arg6[%get3A_44, %get3A_45, %get3A_46] : memref<1x1536x768xf32, #tpu.memory_space<vmem>>, vector<1x1536x768xf32>
        %get3A_48 = vector.shape_cast %get3A_47 : vector<1x1536x768xf32> to vector<1536x768xf32>
        %dot_general3A_49 = arith.constant dense<0.000000e+00> : vector<128x768xf32>
        %dot_general3A_50 = tpu.matmul %max3A_43, %get3A_48, %dot_general3A_49 {dimension_numbers = #tpu.dot_dimension_numbers<[1], [0], [0], [1], [0, 0, 1, 1], [], []>, transpose_lhs_hint = false} : vector<128x1536xf32>, vector<1536x768xf32>, vector<128x768xf32> -> vector<128x768xf32>
        %get3A_51 = arith.constant 0 : index
        %get3A_52 = arith.constant 0 : index
        %get3A_53 = arith.constant 0 : index
        %get3A_54 = vector.load %arg7[%get3A_51, %get3A_52, %get3A_53] : memref<1x1x768xf32, #tpu.memory_space<vmem>>, vector<1x1x768xf32>
        %get3A_55 = vector.shape_cast %get3A_54 : vector<1x1x768xf32> to vector<1x768xf32>
        %add3A_56 = vector.broadcast %get3A_55 : vector<1x768xf32> to vector<128x768xf32>
        %add3A_57 = arith.addf %dot_general3A_50, %add3A_56 : vector<128x768xf32>
        %mul3A_58 = arith.constant 128 : i32
        %mul3A_59 = arith.muli %while3A_23, %mul3A_58 : i32
        %swap3A = arith.index_cast %mul3A_59 : i32 to index
        %swap3A_60 = arith.constant 0 : index
        %swap3A_61 = vector.load %arg8[%swap3A, %swap3A_60] : memref<3072x768xf32, #tpu.memory_space<vmem>>, vector<128x768xf32>
        tpu.vector_store %arg8[%swap3A, %swap3A_60], %add3A_57 {strides = array<i32>} : memref<3072x768xf32, #tpu.memory_space<vmem>>, vector<128x768xf32>,
        %while3A_62 = arith.constant 0 : i32
        scf.yield %while3A_62 : i32
      }
    } else {
    }
    %ne3A = arith.constant 0 : i32
    %ne3A_9 = arith.cmpi ne, %arg1, %ne3A : i32
    %convert_element_type3A_10 = arith.extui %ne3A_9 : i1 to i32
    %cond3A_11 = arith.constant 0 : i32
    %cond3A_12 = arith.cmpi ne, %convert_element_type3A_10, %cond3A_11 : i32
    scf.if %cond3A_12 {
      %while3A = arith.constant 0 : i32
      %while3A_13 = arith.subi %get3A_5, %select_n3A : i32
      %while3A_14 = arith.addi %select_n3A, %while3A_13 : i32
      %while3A_15 = arith.constant 1 : i32
      %while3A_16 = arith.divsi %while3A_13, %while3A_15 : i32
      %while3A_17 = arith.muli %while3A_16, %while3A_15 : i32
      %while3A_18 = arith.addi %select_n3A, %while3A_17 : i32
      %while3A_19 = arith.constant 1 : i32
      %while3A_20 = scf.for %while3A_23 = %select_n3A to %while3A_18 step %while3A_19 iter_args(%while3A_24 = %while3A) -> (i32)  : i32 {
        %mul3A = arith.constant 128 : i32
        %mul3A_25 = arith.muli %while3A_23, %mul3A : i32
        %get3A_26 = arith.index_cast %mul3A_25 : i32 to index
        %get3A_27 = arith.constant 0 : index
        %get3A_28 = vector.load %arg3[%get3A_26, %get3A_27] : memref<3072x768xf32, #tpu.memory_space<vmem>>, vector<128x768xf32>
        %get3A_29 = arith.constant 0 : index
        %get3A_30 = arith.constant 0 : index
        %get3A_31 = arith.constant 0 : index
        %get3A_32 = vector.load %arg4[%get3A_29, %get3A_30, %get3A_31] : memref<1x768x1536xf32, #tpu.memory_space<vmem>>, vector<1x768x1536xf32>
        %get3A_33 = vector.shape_cast %get3A_32 : vector<1x768x1536xf32> to vector<768x1536xf32>
        %dot_general3A = arith.constant dense<0.000000e+00> : vector<128x1536xf32>
        %dot_general3A_34 = tpu.matmul %get3A_28, %get3A_33, %dot_general3A {dimension_numbers = #tpu.dot_dimension_numbers<[1], [0], [0], [1], [0, 0, 1, 1], [], []>, transpose_lhs_hint = false} : vector<128x768xf32>, vector<768x1536xf32>, vector<128x1536xf32> -> vector<128x1536xf32>
        %get3A_35 = arith.constant 0 : index
        %get3A_36 = arith.constant 0 : index
        %get3A_37 = arith.constant 0 : index
        %get3A_38 = vector.load %arg5[%get3A_35, %get3A_36, %get3A_37] : memref<1x1x1536xf32, #tpu.memory_space<vmem>>, vector<1x1x1536xf32>
        %get3A_39 = vector.shape_cast %get3A_38 : vector<1x1x1536xf32> to vector<1x1536xf32>
        %add3A = vector.broadcast %get3A_39 : vector<1x1536xf32> to vector<128x1536xf32>
        %add3A_40 = arith.addf %dot_general3A_34, %add3A : vector<128x1536xf32>
        %max3A_41 = arith.constant 0.000000e+00 : f32
        %max3A_42 = vector.broadcast %max3A_41 : f32 to vector<128x1536xf32>
        %max3A_43 = arith.maximumf %add3A_40, %max3A_42 : vector<128x1536xf32>
        %get3A_44 = arith.constant 0 : index
        %get3A_45 = arith.constant 0 : index
        %get3A_46 = arith.constant 0 : index
        %get3A_47 = vector.load %arg6[%get3A_44, %get3A_45, %get3A_46] : memref<1x1536x768xf32, #tpu.memory_space<vmem>>, vector<1x1536x768xf32>
        %get3A_48 = vector.shape_cast %get3A_47 : vector<1x1536x768xf32> to vector<1536x768xf32>
        %dot_general3A_49 = arith.constant dense<0.000000e+00> : vector<128x768xf32>
        %dot_general3A_50 = tpu.matmul %max3A_43, %get3A_48, %dot_general3A_49 {dimension_numbers = #tpu.dot_dimension_numbers<[1], [0], [0], [1], [0, 0, 1, 1], [], []>, transpose_lhs_hint = false} : vector<128x1536xf32>, vector<1536x768xf32>, vector<128x768xf32> -> vector<128x768xf32>
        %mul3A_51 = arith.constant 128 : i32
        %mul3A_52 = arith.muli %while3A_23, %mul3A_51 : i32
        %get3A_53 = arith.index_cast %mul3A_52 : i32 to index
        %get3A_54 = arith.constant 0 : index
        %get3A_55 = vector.load %arg8[%get3A_53, %get3A_54] : memref<3072x768xf32, #tpu.memory_space<vmem>>, vector<128x768xf32>
        %add3A_56 = arith.addf %get3A_55, %dot_general3A_50 : vector<128x768xf32>
        %swap3A = arith.index_cast %mul3A_52 : i32 to index
        %swap3A_57 = arith.constant 0 : index
        %swap3A_58 = vector.load %arg8[%swap3A, %swap3A_57] : memref<3072x768xf32, #tpu.memory_space<vmem>>, vector<128x768xf32>
        tpu.vector_store %arg8[%swap3A, %swap3A_57], %add3A_56 {strides = array<i32>} : memref<3072x768xf32, #tpu.memory_space<vmem>>, vector<128x768xf32>,
        %while3A_59 = arith.constant 0 : i32
        scf.yield %while3A_59 : i32
      }
      %while3A_21 = arith.constant 1 : i32
      %while3A_22 = scf.for %while3A_23 = %while3A_18 to %while3A_14 step %while3A_21 iter_args(%while3A_24 = %while3A_20) -> (i32)  : i32 {
        %mul3A = arith.constant 128 : i32
        %mul3A_25 = arith.muli %while3A_23, %mul3A : i32
        %get3A_26 = arith.index_cast %mul3A_25 : i32 to index
        %get3A_27 = arith.constant 0 : index
        %get3A_28 = vector.load %arg3[%get3A_26, %get3A_27] : memref<3072x768xf32, #tpu.memory_space<vmem>>, vector<128x768xf32>
        %get3A_29 = arith.constant 0 : index
        %get3A_30 = arith.constant 0 : index
        %get3A_31 = arith.constant 0 : index
        %get3A_32 = vector.load %arg4[%get3A_29, %get3A_30, %get3A_31] : memref<1x768x1536xf32, #tpu.memory_space<vmem>>, vector<1x768x1536xf32>
        %get3A_33 = vector.shape_cast %get3A_32 : vector<1x768x1536xf32> to vector<768x1536xf32>
        %dot_general3A = arith.constant dense<0.000000e+00> : vector<128x1536xf32>
        %dot_general3A_34 = tpu.matmul %get3A_28, %get3A_33, %dot_general3A {dimension_numbers = #tpu.dot_dimension_numbers<[1], [0], [0], [1], [0, 0, 1, 1], [], []>, transpose_lhs_hint = false} : vector<128x768xf32>, vector<768x1536xf32>, vector<128x1536xf32> -> vector<128x1536xf32>
        %get3A_35 = arith.constant 0 : index
        %get3A_36 = arith.constant 0 : index
        %get3A_37 = arith.constant 0 : index
        %get3A_38 = vector.load %arg5[%get3A_35, %get3A_36, %get3A_37] : memref<1x1x1536xf32, #tpu.memory_space<vmem>>, vector<1x1x1536xf32>
        %get3A_39 = vector.shape_cast %get3A_38 : vector<1x1x1536xf32> to vector<1x1536xf32>
        %add3A = vector.broadcast %get3A_39 : vector<1x1536xf32> to vector<128x1536xf32>
        %add3A_40 = arith.addf %dot_general3A_34, %add3A : vector<128x1536xf32>
        %max3A_41 = arith.constant 0.000000e+00 : f32
        %max3A_42 = vector.broadcast %max3A_41 : f32 to vector<128x1536xf32>
        %max3A_43 = arith.maximumf %add3A_40, %max3A_42 : vector<128x1536xf32>
        %get3A_44 = arith.constant 0 : index
        %get3A_45 = arith.constant 0 : index
        %get3A_46 = arith.constant 0 : index
        %get3A_47 = vector.load %arg6[%get3A_44, %get3A_45, %get3A_46] : memref<1x1536x768xf32, #tpu.memory_space<vmem>>, vector<1x1536x768xf32>
        %get3A_48 = vector.shape_cast %get3A_47 : vector<1x1536x768xf32> to vector<1536x768xf32>
        %dot_general3A_49 = arith.constant dense<0.000000e+00> : vector<128x768xf32>
        %dot_general3A_50 = tpu.matmul %max3A_43, %get3A_48, %dot_general3A_49 {dimension_numbers = #tpu.dot_dimension_numbers<[1], [0], [0], [1], [0, 0, 1, 1], [], []>, transpose_lhs_hint = false} : vector<128x1536xf32>, vector<1536x768xf32>, vector<128x768xf32> -> vector<128x768xf32>
        %mul3A_51 = arith.constant 128 : i32
        %mul3A_52 = arith.muli %while3A_23, %mul3A_51 : i32
        %get3A_53 = arith.index_cast %mul3A_52 : i32 to index
        %get3A_54 = arith.constant 0 : index
        %get3A_55 = vector.load %arg8[%get3A_53, %get3A_54] : memref<3072x768xf32, #tpu.memory_space<vmem>>, vector<128x768xf32>
        %add3A_56 = arith.addf %get3A_55, %dot_general3A_50 : vector<128x768xf32>
        %swap3A = arith.index_cast %mul3A_52 : i32 to index
        %swap3A_57 = arith.constant 0 : index
        %swap3A_58 = vector.load %arg8[%swap3A, %swap3A_57] : memref<3072x768xf32, #tpu.memory_space<vmem>>, vector<128x768xf32>
        tpu.vector_store %arg8[%swap3A, %swap3A_57], %add3A_56 {strides = array<i32>} : memref<3072x768xf32, #tpu.memory_space<vmem>>, vector<128x768xf32>,
        %while3A_59 = arith.constant 0 : i32
        scf.yield %while3A_59 : i32
      }
    } else {
    }
    return
  }
  func.func @transform_0(%arg0: i32, %arg1: i32, %arg2: memref<8xi32, #tpu.memory_space<smem>>) -> (i32, i32) {
    %c0_i32 = arith.constant 0 : i32
    %c0_i32_0 = arith.constant 0 : i32
    %c0_i32_1 = arith.constant 0 : i32
    return %c0_i32, %c0_i32_0 : i32, i32
  }
  func.func @transform_1(%arg0: i32, %arg1: i32, %arg2: memref<8xi32, #tpu.memory_space<smem>>) -> (i32, i32, i32) {
    %c0_i32 = arith.constant 0 : i32
    %c0_i32_0 = arith.constant 0 : i32
    return %arg0, %c0_i32, %arg1 : i32, i32, i32
  }
  func.func @transform_2(%arg0: i32, %arg1: i32, %arg2: memref<8xi32, #tpu.memory_space<smem>>) -> (i32, i32, i32) {
    %c0_i32 = arith.constant 0 : i32
    %c0_i32_0 = arith.constant 0 : i32
    return %arg0, %c0_i32, %arg1 : i32, i32, i32
  }
  func.func @transform_3(%arg0: i32, %arg1: i32, %arg2: memref<8xi32, #tpu.memory_space<smem>>) -> (i32, i32, i32) {
    %c0_i32 = arith.constant 0 : i32
    %c0_i32_0 = arith.constant 0 : i32
    return %arg0, %arg1, %c0_i32 : i32, i32, i32
  }
  func.func @transform_4(%arg0: i32, %arg1: i32, %arg2: memref<8xi32, #tpu.memory_space<smem>>) -> (i32, i32, i32) {
    %c0_i32 = arith.constant 0 : i32
    %c0_i32_0 = arith.constant 0 : i32
    %c0_i32_1 = arith.constant 0 : i32
    return %arg0, %c0_i32, %c0_i32_0 : i32, i32, i32
  }
  func.func @transform_5(%arg0: i32, %arg1: i32, %arg2: memref<8xi32, #tpu.memory_space<smem>>) -> (i32, i32) {
    %c0_i32 = arith.constant 0 : i32
    %c0_i32_0 = arith.constant 0 : i32
    %c0_i32_1 = arith.constant 0 : i32
    return %c0_i32, %c0_i32_0 : i32, i32
  }
}

</mosaic_0001>

<sc_bundles>
// kernel: kernel.6.cloned.1.call-start
scs
__scs_entry_jumppad:
0x0: {  	(pc) =	sbr.rel $0x88, $3  }
0x1: {  	(tag) =	ssettag $0x0;
	lr =	simm.s32 $0x1  }
0x2: {  	[smem:$0x3F9A] =	sst lr;
	_ =	strace $0xD0000000  }
0x3: {  	_ = 	snop  }
0x4: {  	_ = 	snop  }
0x5: {  	_ = 	snop  }
0x6: {  	_ = 	snop  }
0x7: {  	_ = 	snop  }
__scs_overlays_trampoline_lowered:
0x8: {  	[smem:$0x3FA9] =	sst s0  }
0x9: {  	[smem:$0x3FAA] =	sst s1  }
0xa: {  	[smem:$0x3FAB] =	sst s2  }
0xb: {  	[smem:$0x3FAC] =	sst s3  }
0xc: {  	[smem:$0x3FAD] =	sst s4  }
0xd: {  	[smem:$0x3FAE] =	sst s5  }
0xe: {  	[smem:$0x3FAF] =	sst s6  }
0xf: {  	[smem:$0x3FB0] =	sst s7  }
0x10: {  	[smem:$0x3FB1] =	sst s8  }
0x11: {  	[smem:$0x3FB2] =	sst s9;
	s0 =	simm.s32 @!p0 $0x0  }
0x12: {  	s1 =	sld [smem:$0x3F98];
	s0 =	simm.s32 @p0 $0x1  }
0x13: {  	[smem:$0x3FB3] =	sst s0;
	s0 =	simm.s32 @!p1 $0x0  }
0x14: {  	s2 =	sld [smem:$0x3F97];
	s0 =	simm.s32 @p1 $0x1  }
0x15: {  	[smem:$0x3FB4] =	sst s0;
	s0 =	simm.s32 @!p2 $0x0  }
0x16: {  	s3 =	sld [smem:$0x3FDB];
	s0 =	simm.s32 @p2 $0x1  }
0x17: {  	s4 =	simm.s32 $0x1BF5;
	[smem:$0x3FB6] =	sst s0  }
0x18: {  	s0 =	sld [smem:$0x3F99];
	_ =	swait.ge [sflag:s4], $0x0  }
0x19: {  	s7 =	sld [smem:$0x3F9A]  }
0x1a: {  	s8 =	sadd.s32 $0xFFFFE003, lr  }
0x1b: {  	s9 =	sadd.s32 $0xFFFFFEF7, lr;
	s5 =	simm.s32 $0xFFFFFFFF;
	p2 =	slt.u32 s8, $0xFFFFF086  }
0x1c: {  	p1 =	slt.u32 s9, $0xF7A;
	s5 =	simm.s32 @!p2 $0x0  }
0x1d: {  	s5 =	simm.s32 @p1 $0x1;
	p0 =	seq.s32 s7, s2  }
0x1e: {  	s7 =	smul.u32 @!p0 $0xF7A, s2;
	p2 =	seq.s32 @!p0 s5, $0x0  }
0x1f: {  	s9 =	smul.u32 $0xF7A, s1;
	s8 =	simm.s32 @!p0 $0x1BF5;
	p2 =	por !p2, p0  }
0x20: {  	[sflag:s8] =	ssyncset.s32 @!p0 $0xFFFFF086;
	s6 =	sadd.s32 @!p0 s3, s7;
	s7 =	simm.s32 @!p0 $0x108  }
0x21: {  	s3 =	sadd.s32 s3, s9;
	s6 =	sadd.s32 @!p0 $0x88, s6;
	s7 =	simm.s32 @p2 $0x1082  }
0x22: {  	[simem:s7], [sflag:s8] =	dma.local @!p0 [hbm:s6], $0xF7A  }
0x23: {  	s9 =	sor.u32 $0xD0000000, s2;
	s6 =	simm.s32 $0x108;
	_ =	swait.ge @!p0 [sflag:s8], $0x0  }
0x24: {  	s3 =	sadd.s32 $0x88, s3;
	s6 =	simm.s32 @!p1 $0x1082;
	[sflag:s4] =	ssyncset.s32 $0xFFFFF086  }
0x25: {  	[simem:s6], [sflag:s4] =	dma.local [hbm:s3], $0xF7A  }
0x26: {  	[smem:$0x3F9A] =	sst s1;
	(tag) =	ssettag s2;
	_ =	strace s9  }
0x27: {  	s1 =	sld [smem:$0x3FAA]  }
0x28: {  	s2 =	sld [smem:$0x3FAB]  }
0x29: {  	s4 =	sld [smem:$0x3FAD]  }
0x2a: {  	p0 =	seq.s32 s5, $0x0;
	s5 =	sld [smem:$0x3FAE]  }
0x2b: {  	s6 =	sld [smem:$0x3FAF]  }
0x2c: {  	s7 =	sld [smem:$0x3FB0]  }
0x2d: {  	s3 =	simm.s32 $0x108;
	s8 =	sld [smem:$0x3FB1]  }
0x2e: {  	s3 =	simm.s32 @!p0 $0x1082;
	s9 =	sld [smem:$0x3FB2]  }
0x2f: {  	lr =	sadd.s32 s0, s3;
	s0 =	sld [smem:$0x3FA9]  }
0x30: {  	s3 =	sld [smem:$0x3FAC]  }
0x31: {  	[smem:$0x3FB5] =	sst s10  }
0x32: {  	s10 =	sld [smem:$0x3FB3];
	_ =	sdelay $0x3  }
0x33: {  	p0 =	seq.s32 s10, $0x1;
	s10 =	sld [smem:$0x3FB5];
	_ =	sdelay $0x3  }
0x34: {  	[smem:$0x3FB5] =	sst s10  }
0x35: {  	s10 =	sld [smem:$0x3FB4];
	_ =	sdelay $0x3  }
0x36: {  	p1 =	seq.s32 s10, $0x1;
	s10 =	sld [smem:$0x3FB5];
	_ =	sdelay $0x3  }
0x37: {  	[smem:$0x3FB5] =	sst s10  }
0x38: {  	s10 =	sld [smem:$0x3FB6]  }
0x39: {  	_ = 	snop;
	(pc) =	sbr.ind lr, $3  }
0x3a: {  	_ = 	snop  }
0x3b: {  	_ = 	snop  }
0x3c: {  	p2 =	seq.s32 s10, $0x1;
	s10 =	sld [smem:$0x3FB5]  }
0x3d: {  	_ =	shalt  }
0x3e: {  	_ =	shalt  }
0x3f: {  	_ =	shalt  }
0x40: {  	_ =	shalt  }
0x41: {  	_ =	shalt  }
0x42: {  	_ =	shalt  }
0x43: {  	_ =	shalt  }
0x44: {  	_ =	shalt  }
0x45: {  	_ =	shalt  }
0x46: {  	_ =	shalt  }
0x47: {  	_ =	shalt  }
0x48: {  	_ =	shalt  }
0x49: {  	_ =	shalt  }
0x4a: {  	_ =	shalt  }
0x4b: {  	_ =	shalt  }
0x4c: {  	_ =	shalt  }
0x4d: {  	_ =	shalt  }
0x4e: {  	_ =	shalt  }
0x4f: {  	_ =	shalt  }
0x50: {  	_ =	shalt  }
0x51: {  	_ =	shalt  }
0x52: {  	_ =	shalt  }
0x53: {  	_ =	shalt  }
0x54: {  	_ =	shalt  }
0x55: {  	_ =	shalt  }
0x56: {  	_ =	shalt  }
0x57: {  	_ =	shalt  }
0x58: {  	_ =	shalt  }
0x59: {  	_ =	shalt  }
0x5a: {  	_ =	shalt  }
0x5b: {  	_ =	shalt  }
0x5c: {  	_ =	shalt  }
0x5d: {  	_ =	shalt  }
0x5e: {  	_ =	shalt  }
0x5f: {  	_ =	shalt  }
0x60: {  	_ =	shalt  }
0x61: {  	_ =	shalt  }
0x62: {  	_ =	shalt  }
0x63: {  	_ =	shalt  }
0x64: {  	_ =	shalt  }
0x65: {  	_ =	shalt  }
0x66: {  	_ =	shalt  }
0x67: {  	_ =	shalt  }
0x68: {  	_ =	shalt  }
0x69: {  	_ =	shalt  }
0x6a: {  	_ =	shalt  }
0x6b: {  	_ =	shalt  }
0x6c: {  	_ =	shalt  }
0x6d: {  	_ =	shalt  }
0x6e: {  	_ =	shalt  }
0x6f: {  	_ =	shalt  }
0x70: {  	_ =	shalt  }
0x71: {  	_ =	shalt  }
0x72: {  	_ =	shalt  }
0x73: {  	_ =	shalt  }
0x74: {  	_ =	shalt  }
0x75: {  	_ =	shalt  }
0x76: {  	_ =	shalt  }
0x77: {  	_ =	shalt  }
0x78: {  	_ =	shalt  }
0x79: {  	_ =	shalt  }
0x7a: {  	_ =	shalt  }
0x7b: {  	_ =	shalt  }
0x7c: {  	_ =	shalt  }
0x7d: {  	_ =	shalt  }
0x7e: {  	_ =	shalt  }
0x7f: {  	_ =	shalt  }
0x80: {  	_ =	shalt  }
0x81: {  	_ =	shalt  }
0x82: {  	_ =	shalt  }
0x83: {  	_ =	shalt  }
0x84: {  	_ =	shalt  }
0x85: {  	_ =	shalt  }
0x86: {  	_ =	shalt  }
0x87: {  	_ =	shalt  }
.Lfunc_end0:
.L_simem_size_0:
called_computation_lowered:
.L_overlay_start_0:
0x88: {  	s2 =	sld [smem:$0x3FD9]  }
0x89: {  	s3 =	sld [smem:$0x3FFE];
	_ =	sdelay $0x1  }
0x8a: {  	s1 =	srdreg.scid  }
0x8b: {  	s0 =	sand.u32 $0x1, s1  }
0x8c: {  	s17 =	sshll.u32 s0, $0xA;
	s2 =	sadd.s32 s3, s2  }
0x8d: {  	s2 =	sadd.s32 s2, s17  }
0x8e: {  	[smem:$0x3FC1] =	sst s2  }
0x8f: {  	_ = 	snop  }
0x90: {  	s2 =	sld [smem:$0x3FC9];
	(tm) =	ssettm $0x1  }
0x91: {  	s18 =	sld [smem:$0x3FFB];
	_ =	sdelay $0x3  }
0x92: {  	_ =	strace s18  }
0x93: {  	s3 =	sld [smem:$0x3FFC];
	_ =	sdelay $0x3  }
0x94: {  	_ =	strace s3  }
0x95: {  	s3 =	sld [smem:$0x3FFD];
	_ =	sdelay $0x3  }
0x96: {  	_ =	strace s3  }
0x97: {  	_ =	strace $0x8FFFFFFF  }
0x98: {  	s19 =	sld [smem:$0x3FDB];
	_ =	sdelay $0x1  }
0x99: {  	s4 =	simm.s32 $_scs_section_size  }
0x9a: {  	s5 =	simm.s32 $_size__tile_overlayer_lowered;
	s6 =	simm.s32 $_tile_overlayer_lowered  }
0x9b: {  	s22 =	simm.s32 $0x1BFF;
	s21 =	sshll.u32 s6, $0x1;
	s3 =	sadd.s32 s4, s19  }
0x9c: {  	s7 =	simm.s32 $0x0;
	s20 =	sshll.u32 s5, $0x1;
	s5 =	sadd.s32 s21, s3  }
0x9d: {  	[timem:s7], [sflag:s22] =	dma.local [hbm:s5], s20  }
0x9e: {  	_ =	swait.ge [sflag:s22], s20  }
0x9f: {  	s4 =	ssub.s32 $0x0, s20;
	[sflag:s22] =	ssyncset.done $0x0  }
0xa0: {  	[sflag:s22] =	ssyncadd.s32 s4;
	_ =	sdelay $0x1  }
0xa1: {  	s23 =	simm.s32 $0x1B8B  }
0xa2: {  	_ =	swait.ge [sflag:s23], $0x1  }
0xa3: {  	[sflag:s23] =	ssyncset.done $0x0  }
0xa4: {  	s25 =	simm.s32 $0x1B8E;
	s24 =	sld [smem:$0x3FFE];
	[sflag:s23] =	ssyncadd.s32 $0xFFFFFFFF  }
0xa5: {  	s26 =	simm.s32 $execute0_lowered;
	[smem:$0x3FD2] =	sst s25  }
0xa6: {  	s5 =	sshll.u32 s26, $0x1;
	_ =	strace $0x80000046;
	[dreg:$0x1] =	wrdreg $0xFFFFFFFF  }
0xa7: {  	s28 =	simm.s32 $_size_execute0_lowered;
	s3 =	sadd.s32 s3, s5;
	[dreg:$0x0] =	wrdreg $0x0  }
0xa8: {  	s5 =	sshll.u32 s28, $0x1;
	[dreg:$0x2] =	wrdreg s3  }
0xa9: {  	[dreg:$0x3] =	wrdreg s5  }
0xaa: {  	[dreg:$0x4] =	wrdreg $0xC0  }
0xab: {  	_ =	task [dreg:s7], $0x5FFFF  }
0xac: {  	[dreg:$0x1] =	wrdreg $0xFFFFFFFF  }
0xad: {  	[dreg:$0x0] =	wrdreg $0x60  }
0xae: {  	[dreg:$0x2] =	wrdreg s2  }
0xaf: {  	[dreg:$0x3] =	wrdreg s24  }
0xb0: {  	[dreg:$0x4] =	wrdreg $0x9  }
0xb1: {  	_ =	task.clear_ibuf [dreg:s7], $0x5FFFF;
	_ =	strace $0x90000046  }
0xb2: {  	s29 =	simm.s32 $0x9;
	_ =	strace $0x80000048  }
0xb3: {  	_ =	swait.ge [sflag:s29], $0x1  }
0xb4: {  	[sflag:s29] =	ssyncadd.s32 $0xFFFFFFFF  }
0xb5: {  	_ =	strace $0x90000048  }
0xb6: {  	_ =	sfence  }
0xb7: {  	s30 =	sld [smem:$0x0];
	_ =	sdelay $0x2  }
0xb8: {  	s31 =	sshll.u32 s1, $0xD;
	s1 =	sshrl.u32 s1, $0x2  }
0xb9: {  	s3 =	sand.u32 $0x4000, s31;
	s1 =	sadd.s32 s1, s30  }
0xba: {  	s0 =	sor.u32 s3, s0;
	s1 =	sshll.u32 s1, $0x11  }
0xbb: {  	s0 =	sor.u32 s1, s0  }
0xbc: {  	s0 =	sadd.s32 $0x8F2B, s0  }
0xbd: {  	[sflag:s0] =	ssyncadd.remote.s32 $0x1  }
0xbe: {  	_ =	sfence.sel $0xFFFF  }
0xbf: {  	[dreg:$0x0] =	wrdreg $0xFFFFFFFF;
	(pc) =	sbr.abs _section_cstart, $3  }
0xc0: {  	[dreg:$0x1] =	wrdreg $0xFFFFFFFF  }
0xc1: {  	_ =	task.clear_ibuf [dreg:s7], $0x2FFFF;
	_ =	strace $0x9FFFFFFF  }
0xc2: {  	(tm) =	ssettm $0x7FFFFFFF  }
0xc3: {  	_ =	shalt  }
tec
execute0_lowered:
.L_overlay_start_1:
0x0: {  	(tag) =	ssettag $0x1  }
0x1: {  	s1 =	srdreg.scid  }
0x2: {  	s3 =	rddreg [dreg:$0x0];
	s0 =	stileid.u32  }
0x3: {  	s5 =	rddreg [dreg:$0x1];
	s2 =	simm.s32 $0x0;
	s8 =	simm.s32 $0x80  }
0x4: {  	s26 =	simm.s32 $0x880;
	s9 =	simm.s32 $0x1080;
	s10 =	simm.s32 $0x1880  }
0x5: {  	s11 =	simm.s32 $0x2080;
	s12 =	simm.s32 $0x2880;
	s13 =	simm.s32 $0x3080  }
0x6: {  	s14 =	simm.s32 $0x3880;
	s15 =	simm.s32 $0x4080;
	s16 =	simm.s32 $0x4880  }
0x7: {  	s17 =	simm.s32 $0x5080;
	s18 =	simm.s32 $0x5880;
	s19 =	simm.s32 $0x6080  }
0x8: {  	s20 =	simm.s32 $0x6880;
	s21 =	simm.s32 $0x7080;
	s22 =	simm.s32 $0x7880  }
0x9: {  	s23 =	simm.s32 $0x8080;
	s24 =	simm.s32 $0x8880;
	s25 =	simm.s32 $0x9080  }
0xa: {  	s28 =	simm.s32 $0xA080;
	s29 =	simm.s32 $0xA880;
	s30 =	simm.s32 $0xB080  }
0xb: {  	s31 =	simm.s32 $0xB880;
	s1 =	sand.u32 $0x1, s1;
	[smem:$0x7FF] =	sst s2  }
0xc: {  	s4 =	sshll.u32 s0, $0x4;
	s6 =	sshll.u32 s1, $0x3;
	_ =	strace $0x80000047  }
0xd: {  	s1 =	ssub.s32 $0x2, s1;
	[dreg:$0x5] =	wrdreg s26;
	s4 =	sor.u32 s6, s4  }
0xe: {  	s7 =	sshrl.u32 s1, $0x1;
	s6 =	sadd.s32 s4, s5;
	s4 =	smul.u32 $0x300, s4  }
0xf: {  	s26 =	simm.s32 $0x9880;
	s1 =	ssub.s32 s1, s7;
	s6 =	sadd.s32 $0x1200, s6  }
0x10: {  	v2 =	vlaneseq.u32;
	s7 =	simm.s32 $0x2;
	[dreg:$0x3] =	wrdreg s6;
	s4 =	sadd.s32 s3, s4  }
0x11: {  	vm0 =	vmmov $0xffff;
	v1 =	vshrl.u32 v2, $0x3;
	s3 =	sadd.s32 $0x1400, s5;
	s6 =	smax.u32 s1, $0x1;
	s1 =	simm.s32 $0x1  }
0x12: {  	v0 =	vand.u32 $0x7, v2;
	v2 =	vor.u32 $0x8, v2;
	v1 =	vmul.u32 $0x8, v1;
	[dreg:$0x4] =	wrdreg s4;
	s4 =	sadd.s32 $0x1500, s5;
	s5 =	sadd.s32 $0x1600, s5  }
.LBB2_1:
0x13: {  	s0 =	rddreg [dreg:$0x3]  }
0x14: {  	[tilespmem:s2], [sflag:$0x2] =	stream.linear.gather [hbm4b:s0+s2], $0x40, $0x38;
	[tilespmem:$0xC080] =	vst v63  }
0x15: {  	_ =	swait.ge [sflag:s7], $0x40  }
0x16: {  	[sflag:s7] =	ssyncset.done $0x0  }
0x17: {  	s0 =	rddreg [dreg:$0x4];
	[sflag:s7] =	ssyncadd.s32 $0xFFFFFFC0  }
0x18: {  	[tilespmem:s8], [sflag:$0x2] =	stream.linear.gather [hbm4b:s0+s2], $0xC000, $0x38;
	[tilespmem:$0xC080] =	vst v63  }
0x19: {  	_ =	swait.ge [sflag:s7], $0xC000  }
0x1a: {  	[sflag:s7] =	ssyncset.done $0x0  }
0x1b: {  	[sflag:s7] =	ssyncadd.s32 $0xFFFF4000  }
0x1c: {  	v3 =	vld [tilespmem:$0x0];
	_ =	sdelay $0x4  }
0x1d: {  	v4 =	vshrl.u32 v3, $0x3  }
0x1e: {  	v4 =	vmul.u32 $0x30, v4  }
0x1f: {  	v3 =	vand.u32 $0x7, v3  }
0x20: {  	v3 =	vor.u32 v3, v4  }
0x21: {  	v4 =	vperm.xlane v3, v0;
	_ =	sdelay $0x1  }
0x22: {  	v4 =	vadd.s32 v1, v4;
	_ =	sdelay $0x3  }
0x23: {  	v3 =	vperm.xlane v3, v2  }
0x24: {  	[hbm4b:s3+s2] =	stream.indirect_vreg.scatter [tilespmem:s8], [sflag:$0x1], $0x80, v4, vm0, $0xb8;
	[tilespmem:$0xC080] =	vst v63  }
0x25: {  	s0 =	rddreg [dreg:$0x5];
	v3 =	vadd.s32 v1, v3  }
0x26: {  	[hbm4b:s4+s2] =	stream.indirect_vreg.scatter [tilespmem:s0], [sflag:$0x1], $0x80, v4, vm0, $0xb8;
	[tilespmem:$0xC080] =	vst v63  }
0x27: {  	_ = 	snop  }
0x28: {  	[hbm4b:s5+s2] =	stream.indirect_vreg.scatter [tilespmem:s9], [sflag:$0x1], $0x80, v4, vm0, $0xb8;
	[tilespmem:$0xC080] =	vst v63  }
0x29: {  	_ = 	snop  }
0x2a: {  	[hbm4b:s3+s2] =	stream.indirect_vreg.scatter [tilespmem:s10], [sflag:$0x1], $0x80, v3, vm0, $0xb8;
	[tilespmem:$0xC080] =	vst v63  }
0x2b: {  	_ = 	snop  }
0x2c: {  	[hbm4b:s4+s2] =	stream.indirect_vreg.scatter [tilespmem:s11], [sflag:$0x1], $0x80, v3, vm0, $0xb8;
	[tilespmem:$0xC080] =	vst v63  }
0x2d: {  	_ = 	snop  }
0x2e: {  	[hbm4b:s5+s2] =	stream.indirect_vreg.scatter [tilespmem:s12], [sflag:$0x1], $0x80, v3, vm0, $0xb8;
	[tilespmem:$0xC080] =	vst v63  }
0x2f: {  	v3 =	vld [tilespmem:$0x10];
	_ =	sdelay $0x4  }
0x30: {  	v61 =	vshrl.u32 v3, $0x3  }
0x31: {  	v4 =	vmul.u32 $0x30, v61  }
0x32: {  	v3 =	vand.u32 $0x7, v3  }
0x33: {  	v3 =	vor.u32 v3, v4  }
0x34: {  	v4 =	vperm.xlane v3, v0;
	_ =	sdelay $0x1  }
0x35: {  	v4 =	vadd.s32 v1, v4;
	_ =	sdelay $0x3  }
0x36: {  	v3 =	vperm.xlane v3, v2  }
0x37: {  	[hbm4b:s3+s2] =	stream.indirect_vreg.scatter [tilespmem:s13], [sflag:$0x1], $0x80, v4, vm0, $0xb8;
	[tilespmem:$0xC080] =	vst v63  }
0x38: {  	v3 =	vadd.s32 v1, v3  }
0x39: {  	[hbm4b:s4+s2] =	stream.indirect_vreg.scatter [tilespmem:s14], [sflag:$0x1], $0x80, v4, vm0, $0xb8;
	[tilespmem:$0xC080] =	vst v63  }
0x3a: {  	_ = 	snop  }
0x3b: {  	[hbm4b:s5+s2] =	stream.indirect_vreg.scatter [tilespmem:s15], [sflag:$0x1], $0x80, v4, vm0, $0xb8;
	[tilespmem:$0xC080] =	vst v63  }
0x3c: {  	_ = 	snop  }
0x3d: {  	[hbm4b:s3+s2] =	stream.indirect_vreg.scatter [tilespmem:s16], [sflag:$0x1], $0x80, v3, vm0, $0xb8;
	[tilespmem:$0xC080] =	vst v63  }
0x3e: {  	_ = 	snop  }
0x3f: {  	[hbm4b:s4+s2] =	stream.indirect_vreg.scatter [tilespmem:s17], [sflag:$0x1], $0x80, v3, vm0, $0xb8;
	[tilespmem:$0xC080] =	vst v63  }
0x40: {  	_ = 	snop  }
0x41: {  	[hbm4b:s5+s2] =	stream.indirect_vreg.scatter [tilespmem:s18], [sflag:$0x1], $0x80, v3, vm0, $0xb8;
	[tilespmem:$0xC080] =	vst v63  }
0x42: {  	v3 =	vld [tilespmem:$0x20];
	_ =	sdelay $0x4  }
0x43: {  	v62 =	vshrl.u32 v3, $0x3  }
0x44: {  	v4 =	vmul.u32 $0x30, v62  }
0x45: {  	v3 =	vand.u32 $0x7, v3  }
0x46: {  	v3 =	vor.u32 v3, v4  }
0x47: {  	v4 =	vperm.xlane v3, v0;
	_ =	sdelay $0x1  }
0x48: {  	v4 =	vadd.s32 v1, v4;
	_ =	sdelay $0x3  }
0x49: {  	v3 =	vperm.xlane v3, v2  }
0x4a: {  	[hbm4b:s3+s2] =	stream.indirect_vreg.scatter [tilespmem:s19], [sflag:$0x1], $0x80, v4, vm0, $0xb8;
	[tilespmem:$0xC080] =	vst v63  }
0x4b: {  	v3 =	vadd.s32 v1, v3  }
0x4c: {  	[hbm4b:s4+s2] =	stream.indirect_vreg.scatter [tilespmem:s20], [sflag:$0x1], $0x80, v4, vm0, $0xb8;
	[tilespmem:$0xC080] =	vst v63  }
0x4d: {  	_ = 	snop  }
0x4e: {  	[hbm4b:s5+s2] =	stream.indirect_vreg.scatter [tilespmem:s21], [sflag:$0x1], $0x80, v4, vm0, $0xb8;
	[tilespmem:$0xC080] =	vst v63  }
0x4f: {  	_ = 	snop  }
0x50: {  	[hbm4b:s3+s2] =	stream.indirect_vreg.scatter [tilespmem:s22], [sflag:$0x1], $0x80, v3, vm0, $0xb8;
	[tilespmem:$0xC080] =	vst v63  }
0x51: {  	_ = 	snop  }
0x52: {  	[hbm4b:s4+s2] =	stream.indirect_vreg.scatter [tilespmem:s23], [sflag:$0x1], $0x80, v3, vm0, $0xb8;
	[tilespmem:$0xC080] =	vst v63  }
0x53: {  	_ = 	snop  }
0x54: {  	[hbm4b:s5+s2] =	stream.indirect_vreg.scatter [tilespmem:s24], [sflag:$0x1], $0x80, v3, vm0, $0xb8;
	[tilespmem:$0xC080] =	vst v63  }
0x55: {  	v3 =	vld [tilespmem:$0x30];
	_ =	sdelay $0x4  }
0x56: {  	v63 =	vshrl.u32 v3, $0x3  }
0x57: {  	v4 =	vmul.u32 $0x30, v63  }
0x58: {  	v3 =	vand.u32 $0x7, v3  }
0x59: {  	v3 =	vor.u32 v3, v4  }
0x5a: {  	v4 =	vperm.xlane v3, v0;
	_ =	sdelay $0x1  }
0x5b: {  	v4 =	vadd.s32 v1, v4;
	_ =	sdelay $0x3  }
0x5c: {  	v3 =	vperm.xlane v3, v2  }
0x5d: {  	[hbm4b:s3+s2] =	stream.indirect_vreg.scatter [tilespmem:s25], [sflag:$0x1], $0x80, v4, vm0, $0xb8;
	[tilespmem:$0xC080] =	vst v63  }
0x5e: {  	v3 =	vadd.s32 v1, v3  }
0x5f: {  	[hbm4b:s4+s2] =	stream.indirect_vreg.scatter [tilespmem:s26], [sflag:$0x1], $0x80, v4, vm0, $0xb8;
	[tilespmem:$0xC080] =	vst v63  }
0x60: {  	_ = 	snop  }
0x61: {  	[hbm4b:s5+s2] =	stream.indirect_vreg.scatter [tilespmem:s28], [sflag:$0x1], $0x80, v4, vm0, $0xb8;
	[tilespmem:$0xC080] =	vst v63  }
0x62: {  	_ = 	snop  }
0x63: {  	[hbm4b:s3+s2] =	stream.indirect_vreg.scatter [tilespmem:s29], [sflag:$0x1], $0x80, v3, vm0, $0xb8;
	[tilespmem:$0xC080] =	vst v63  }
0x64: {  	p0 =	sne.s32 s6, $0x1  }
0x65: {  	[hbm4b:s4+s2] =	stream.indirect_vreg.scatter [tilespmem:s30], [sflag:$0x1], $0x80, v3, vm0, $0xb8;
	[tilespmem:$0xC080] =	vst v63  }
.Ltmp0:
0x66: {  	_ = 	snop;
	(pc) =	sbr.rel @p0 .LBB2_1-.Ltmp0, $4  }
0x67: {  	[hbm4b:s5+s2] =	stream.indirect_vreg.scatter [tilespmem:s31], [sflag:$0x1], $0x80, v3, vm0, $0xb8;
	[tilespmem:$0xC080] =	vst v63  }
0x68: {  	_ =	swait.ge [sflag:s1], $0xC000  }
0x69: {  	[sflag:s1] =	ssyncset.done $0x0  }
0x6a: {  	s6 =	sadd.s32 $0xFFFFFFFF, s6;
	[sflag:s1] =	ssyncadd.s32 $0xFFFF4000  }
0x6b: {  	_ =	sfence.sel $0x180000  }
0x6c: {  	[bflag:$0x0] =	sbarrier.arrive $0xFFFF  }
0x6d: {  	_ =	strace $0x90000047  }
0x6e: {  	s0 =	stileid.u32;
	[bflag:$0x2] =	sbarrier.arrive $0xFFFF  }
0x6f: {  	p0 =	sne.s32 s0, $0x0;
	s0 =	rddreg [dreg:$0x2]  }
0x70: {  	s0 =	sadd.s32 @!p0 $0x100000, s0  }
0x71: {  	[sflag:s0] =	ssyncadd.tile.s32 @!p0 $0x1;
	_ =	shalt  }
.Lfunc_end2:
_tile_overlayer_lowered:
.L_overlay_start_2:
0x72: {  	(tag) =	ssettag $0x2  }
0x73: {  	s0 =	rddreg [dreg:$0x0];
	s2 =	stileid.u32  }
0x74: {  	s1 =	rddreg [dreg:$0x1];
	p0 =	sne.s32 s2, $0x0  }
0x75: {  	s3 =	rddreg [dreg:$0x2];
	[bflag:$0x3] =	sbarrier.arrive $0xFFFF;
	s2 =	simm.s32 @!p0 $0x1C02  }
0x76: {  	[timem:s3], [sflag:s2] =	dma.local @!p0 [hbm:s0], s1  }
0x77: {  	s0 =	simm.s32 @!p0 $0x2  }
0x78: {  	_ =	swait.ge @!p0 [sflag:s0], s1  }
0x79: {  	s1 =	ssub.s32 @!p0 $0x0, s1;
	[sflag:s0] =	ssyncset.done @!p0 $0x0  }
0x7a: {  	[sflag:s0] =	ssyncadd.s32 @!p0 s1  }
0x7b: {  	[bflag:$0x3] =	sbarrier.arrive $0xFFFF  }
0x7c: {  	_ =	shalt  }

// kernel: kernel.9.cloned.1.call-start
scs
__scs_entry_jumppad:
0x0: {  	(pc) =	sbr.rel $0x88, $3  }
0x1: {  	(tag) =	ssettag $0x0;
	lr =	simm.s32 $0x1  }
0x2: {  	[smem:$0x3F9A] =	sst lr;
	_ =	strace $0xD0000000  }
0x3: {  	_ = 	snop  }
0x4: {  	_ = 	snop  }
0x5: {  	_ = 	snop  }
0x6: {  	_ = 	snop  }
0x7: {  	_ = 	snop  }
__scs_overlays_trampoline_lowered:
0x8: {  	[smem:$0x3FA9] =	sst s0  }
0x9: {  	[smem:$0x3FAA] =	sst s1  }
0xa: {  	[smem:$0x3FAB] =	sst s2  }
0xb: {  	[smem:$0x3FAC] =	sst s3  }
0xc: {  	[smem:$0x3FAD] =	sst s4  }
0xd: {  	[smem:$0x3FAE] =	sst s5  }
0xe: {  	[smem:$0x3FAF] =	sst s6  }
0xf: {  	[smem:$0x3FB0] =	sst s7  }
0x10: {  	[smem:$0x3FB1] =	sst s8  }
0x11: {  	[smem:$0x3FB2] =	sst s9;
	s0 =	simm.s32 @!p0 $0x0  }
0x12: {  	s1 =	sld [smem:$0x3F98];
	s0 =	simm.s32 @p0 $0x1  }
0x13: {  	[smem:$0x3FB3] =	sst s0;
	s0 =	simm.s32 @!p1 $0x0  }
0x14: {  	s2 =	sld [smem:$0x3F97];
	s0 =	simm.s32 @p1 $0x1  }
0x15: {  	[smem:$0x3FB4] =	sst s0;
	s0 =	simm.s32 @!p2 $0x0  }
0x16: {  	s3 =	sld [smem:$0x3FDB];
	s0 =	simm.s32 @p2 $0x1  }
0x17: {  	s4 =	simm.s32 $0x1BF5;
	[smem:$0x3FB6] =	sst s0  }
0x18: {  	s0 =	sld [smem:$0x3F99];
	_ =	swait.ge [sflag:s4], $0x0  }
0x19: {  	s7 =	sld [smem:$0x3F9A]  }
0x1a: {  	s8 =	sadd.s32 $0xFFFFE003, lr  }
0x1b: {  	s9 =	sadd.s32 $0xFFFFFEF7, lr;
	s5 =	simm.s32 $0xFFFFFFFF;
	p2 =	slt.u32 s8, $0xFFFFF086  }
0x1c: {  	p1 =	slt.u32 s9, $0xF7A;
	s5 =	simm.s32 @!p2 $0x0  }
0x1d: {  	s5 =	simm.s32 @p1 $0x1;
	p0 =	seq.s32 s7, s2  }
0x1e: {  	s7 =	smul.u32 @!p0 $0xF7A, s2;
	p2 =	seq.s32 @!p0 s5, $0x0  }
0x1f: {  	s9 =	smul.u32 $0xF7A, s1;
	s8 =	simm.s32 @!p0 $0x1BF5;
	p2 =	por !p2, p0  }
0x20: {  	[sflag:s8] =	ssyncset.s32 @!p0 $0xFFFFF086;
	s6 =	sadd.s32 @!p0 s3, s7;
	s7 =	simm.s32 @!p0 $0x108  }
0x21: {  	s3 =	sadd.s32 s3, s9;
	s6 =	sadd.s32 @!p0 $0x88, s6;
	s7 =	simm.s32 @p2 $0x1082  }
0x22: {  	[simem:s7], [sflag:s8] =	dma.local @!p0 [hbm:s6], $0xF7A  }
0x23: {  	s9 =	sor.u32 $0xD0000000, s2;
	s6 =	simm.s32 $0x108;
	_ =	swait.ge @!p0 [sflag:s8], $0x0  }
0x24: {  	s3 =	sadd.s32 $0x88, s3;
	s6 =	simm.s32 @!p1 $0x1082;
	[sflag:s4] =	ssyncset.s32 $0xFFFFF086  }
0x25: {  	[simem:s6], [sflag:s4] =	dma.local [hbm:s3], $0xF7A  }
0x26: {  	[smem:$0x3F9A] =	sst s1;
	(tag) =	ssettag s2;
	_ =	strace s9  }
0x27: {  	s1 =	sld [smem:$0x3FAA]  }
0x28: {  	s2 =	sld [smem:$0x3FAB]  }
0x29: {  	s4 =	sld [smem:$0x3FAD]  }
0x2a: {  	p0 =	seq.s32 s5, $0x0;
	s5 =	sld [smem:$0x3FAE]  }
0x2b: {  	s6 =	sld [smem:$0x3FAF]  }
0x2c: {  	s7 =	sld [smem:$0x3FB0]  }
0x2d: {  	s3 =	simm.s32 $0x108;
	s8 =	sld [smem:$0x3FB1]  }
0x2e: {  	s3 =	simm.s32 @!p0 $0x1082;
	s9 =	sld [smem:$0x3FB2]  }
0x2f: {  	lr =	sadd.s32 s0, s3;
	s0 =	sld [smem:$0x3FA9]  }
0x30: {  	s3 =	sld [smem:$0x3FAC]  }
0x31: {  	[smem:$0x3FB5] =	sst s10  }
0x32: {  	s10 =	sld [smem:$0x3FB3];
	_ =	sdelay $0x3  }
0x33: {  	p0 =	seq.s32 s10, $0x1;
	s10 =	sld [smem:$0x3FB5];
	_ =	sdelay $0x3  }
0x34: {  	[smem:$0x3FB5] =	sst s10  }
0x35: {  	s10 =	sld [smem:$0x3FB4];
	_ =	sdelay $0x3  }
0x36: {  	p1 =	seq.s32 s10, $0x1;
	s10 =	sld [smem:$0x3FB5];
	_ =	sdelay $0x3  }
0x37: {  	[smem:$0x3FB5] =	sst s10  }
0x38: {  	s10 =	sld [smem:$0x3FB6]  }
0x39: {  	_ = 	snop;
	(pc) =	sbr.ind lr, $3  }
0x3a: {  	_ = 	snop  }
0x3b: {  	_ = 	snop  }
0x3c: {  	p2 =	seq.s32 s10, $0x1;
	s10 =	sld [smem:$0x3FB5]  }
0x3d: {  	_ =	shalt  }
0x3e: {  	_ =	shalt  }
0x3f: {  	_ =	shalt  }
0x40: {  	_ =	shalt  }
0x41: {  	_ =	shalt  }
0x42: {  	_ =	shalt  }
0x43: {  	_ =	shalt  }
0x44: {  	_ =	shalt  }
0x45: {  	_ =	shalt  }
0x46: {  	_ =	shalt  }
0x47: {  	_ =	shalt  }
0x48: {  	_ =	shalt  }
0x49: {  	_ =	shalt  }
0x4a: {  	_ =	shalt  }
0x4b: {  	_ =	shalt  }
0x4c: {  	_ =	shalt  }
0x4d: {  	_ =	shalt  }
0x4e: {  	_ =	shalt  }
0x4f: {  	_ =	shalt  }
0x50: {  	_ =	shalt  }
0x51: {  	_ =	shalt  }
0x52: {  	_ =	shalt  }
0x53: {  	_ =	shalt  }
0x54: {  	_ =	shalt  }
0x55: {  	_ =	shalt  }
0x56: {  	_ =	shalt  }
0x57: {  	_ =	shalt  }
0x58: {  	_ =	shalt  }
0x59: {  	_ =	shalt  }
0x5a: {  	_ =	shalt  }
0x5b: {  	_ =	shalt  }
0x5c: {  	_ =	shalt  }
0x5d: {  	_ =	shalt  }
0x5e: {  	_ =	shalt  }
0x5f: {  	_ =	shalt  }
0x60: {  	_ =	shalt  }
0x61: {  	_ =	shalt  }
0x62: {  	_ =	shalt  }
0x63: {  	_ =	shalt  }
0x64: {  	_ =	shalt  }
0x65: {  	_ =	shalt  }
0x66: {  	_ =	shalt  }
0x67: {  	_ =	shalt  }
0x68: {  	_ =	shalt  }
0x69: {  	_ =	shalt  }
0x6a: {  	_ =	shalt  }
0x6b: {  	_ =	shalt  }
0x6c: {  	_ =	shalt  }
0x6d: {  	_ =	shalt  }
0x6e: {  	_ =	shalt  }
0x6f: {  	_ =	shalt  }
0x70: {  	_ =	shalt  }
0x71: {  	_ =	shalt  }
0x72: {  	_ =	shalt  }
0x73: {  	_ =	shalt  }
0x74: {  	_ =	shalt  }
0x75: {  	_ =	shalt  }
0x76: {  	_ =	shalt  }
0x77: {  	_ =	shalt  }
0x78: {  	_ =	shalt  }
0x79: {  	_ =	shalt  }
0x7a: {  	_ =	shalt  }
0x7b: {  	_ =	shalt  }
0x7c: {  	_ =	shalt  }
0x7d: {  	_ =	shalt  }
0x7e: {  	_ =	shalt  }
0x7f: {  	_ =	shalt  }
0x80: {  	_ =	shalt  }
0x81: {  	_ =	shalt  }
0x82: {  	_ =	shalt  }
0x83: {  	_ =	shalt  }
0x84: {  	_ =	shalt  }
0x85: {  	_ =	shalt  }
0x86: {  	_ =	shalt  }
0x87: {  	_ =	shalt  }
.Lfunc_end0:
.L_simem_size_0:
called_computation.1_lowered:
.L_overlay_start_0:
0x88: {  	s2 =	sld [smem:$0x3FD9]  }
0x89: {  	s3 =	sld [smem:$0x3FFE];
	_ =	sdelay $0x1  }
0x8a: {  	s1 =	srdreg.scid  }
0x8b: {  	s0 =	sand.u32 $0x1, s1  }
0x8c: {  	s17 =	sshll.u32 s0, $0xA;
	s2 =	sadd.s32 s3, s2  }
0x8d: {  	s2 =	sadd.s32 s2, s17  }
0x8e: {  	[smem:$0x3FC1] =	sst s2  }
0x8f: {  	_ = 	snop  }
0x90: {  	s2 =	sld [smem:$0x3FD0];
	(tm) =	ssettm $0x1  }
0x91: {  	s18 =	sld [smem:$0x3FFB];
	_ =	sdelay $0x3  }
0x92: {  	_ =	strace s18  }
0x93: {  	s3 =	sld [smem:$0x3FFC];
	_ =	sdelay $0x3  }
0x94: {  	_ =	strace s3  }
0x95: {  	s3 =	sld [smem:$0x3FFD];
	_ =	sdelay $0x3  }
0x96: {  	_ =	strace s3  }
0x97: {  	_ =	strace $0x8FFFFFFF  }
0x98: {  	s19 =	sld [smem:$0x3FDB];
	_ =	sdelay $0x1  }
0x99: {  	s4 =	simm.s32 $_scs_section_size  }
0x9a: {  	s5 =	simm.s32 $_size__tile_overlayer_lowered;
	s6 =	simm.s32 $_tile_overlayer_lowered  }
0x9b: {  	s22 =	simm.s32 $0x1BFF;
	s21 =	sshll.u32 s6, $0x1;
	s3 =	sadd.s32 s4, s19  }
0x9c: {  	s7 =	simm.s32 $0x0;
	s20 =	sshll.u32 s5, $0x1;
	s5 =	sadd.s32 s21, s3  }
0x9d: {  	[timem:s7], [sflag:s22] =	dma.local [hbm:s5], s20  }
0x9e: {  	_ =	swait.ge [sflag:s22], s20  }
0x9f: {  	s4 =	ssub.s32 $0x0, s20;
	[sflag:s22] =	ssyncset.done $0x0  }
0xa0: {  	[sflag:s22] =	ssyncadd.s32 s4;
	_ =	sdelay $0x1  }
0xa1: {  	s23 =	simm.s32 $0x1B8B  }
0xa2: {  	_ =	swait.ge [sflag:s23], $0x1  }
0xa3: {  	[sflag:s23] =	ssyncset.done $0x0  }
0xa4: {  	s25 =	simm.s32 $0x1B8E;
	s24 =	sld [smem:$0x3FFE];
	[sflag:s23] =	ssyncadd.s32 $0xFFFFFFFF  }
0xa5: {  	s26 =	simm.s32 $execute0_lowered;
	[smem:$0x3FD2] =	sst s25  }
0xa6: {  	s5 =	sshll.u32 s26, $0x1;
	_ =	strace $0x80000049;
	[dreg:$0x1] =	wrdreg $0xFFFFFFFF  }
0xa7: {  	s28 =	simm.s32 $_size_execute0_lowered;
	s3 =	sadd.s32 s3, s5;
	[dreg:$0x0] =	wrdreg $0x0  }
0xa8: {  	s5 =	sshll.u32 s28, $0x1;
	[dreg:$0x2] =	wrdreg s3  }
0xa9: {  	[dreg:$0x3] =	wrdreg s5  }
0xaa: {  	[dreg:$0x4] =	wrdreg $0xC0  }
0xab: {  	_ =	task [dreg:s7], $0x5FFFF  }
0xac: {  	[dreg:$0x1] =	wrdreg $0xFFFFFFFF  }
0xad: {  	[dreg:$0x0] =	wrdreg $0x60  }
0xae: {  	[dreg:$0x2] =	wrdreg s24  }
0xaf: {  	[dreg:$0x3] =	wrdreg s2  }
0xb0: {  	[dreg:$0x4] =	wrdreg $0x9  }
0xb1: {  	_ =	task.clear_ibuf [dreg:s7], $0x5FFFF;
	_ =	strace $0x90000049  }
0xb2: {  	s29 =	simm.s32 $0x9;
	_ =	strace $0x8000004B  }
0xb3: {  	_ =	swait.ge [sflag:s29], $0x1  }
0xb4: {  	[sflag:s29] =	ssyncadd.s32 $0xFFFFFFFF  }
0xb5: {  	_ =	strace $0x9000004B  }
0xb6: {  	_ =	sfence  }
0xb7: {  	s30 =	sld [smem:$0x0];
	_ =	sdelay $0x2  }
0xb8: {  	s31 =	sshll.u32 s1, $0xD;
	s1 =	sshrl.u32 s1, $0x2  }
0xb9: {  	s3 =	sand.u32 $0x4000, s31;
	s1 =	sadd.s32 s1, s30  }
0xba: {  	s0 =	sor.u32 s3, s0;
	s1 =	sshll.u32 s1, $0x11  }
0xbb: {  	s0 =	sor.u32 s1, s0  }
0xbc: {  	s0 =	sadd.s32 $0x8F2B, s0  }
0xbd: {  	[sflag:s0] =	ssyncadd.remote.s32 $0x1  }
0xbe: {  	_ =	sfence.sel $0xFFFF  }
0xbf: {  	[dreg:$0x0] =	wrdreg $0xFFFFFFFF;
	(pc) =	sbr.abs _section_cstart, $3  }
0xc0: {  	[dreg:$0x1] =	wrdreg $0xFFFFFFFF  }
0xc1: {  	_ =	task.clear_ibuf [dreg:s7], $0x2FFFF;
	_ =	strace $0x9FFFFFFF  }
0xc2: {  	(tm) =	ssettm $0x7FFFFFFF  }
0xc3: {  	_ =	shalt  }
tec
execute0_lowered:
.L_overlay_start_1:
0x0: {  	(tag) =	ssettag $0x1  }
0x1: {  	s0 =	rddreg [dreg:$0x0]  }
0x2: {  	s5 =	rddreg [dreg:$0x1];
	s3 =	srdreg.scid  }
0x3: {  	s2 =	simm.s32 $0x0;
	s1 =	stileid.u32;
	s26 =	simm.s32 $0x880  }
0x4: {  	s10 =	simm.s32 $0x1880;
	s11 =	simm.s32 $0x2080;
	s12 =	simm.s32 $0x2880  }
0x5: {  	s13 =	simm.s32 $0x3080;
	s14 =	simm.s32 $0x3880;
	s15 =	simm.s32 $0x4080  }
0x6: {  	s16 =	simm.s32 $0x4880;
	s17 =	simm.s32 $0x5080;
	s18 =	simm.s32 $0x5880  }
0x7: {  	s19 =	simm.s32 $0x6080;
	s20 =	simm.s32 $0x6880;
	s21 =	simm.s32 $0x7080  }
0x8: {  	s22 =	simm.s32 $0x7880;
	s28 =	simm.s32 $0xA080;
	s29 =	simm.s32 $0xA880  }
0x9: {  	s30 =	simm.s32 $0xB080;
	s31 =	simm.s32 $0xB880;
	s3 =	sand.u32 $0x1, s3  }
0xa: {  	[smem:$0x7FF] =	sst s2;
	s4 =	sshll.u32 s1, $0x4;
	s6 =	sshll.u32 s3, $0x3  }
0xb: {  	_ =	strace $0x8000004A;
	s23 =	ssub.s32 $0x2, s3;
	s3 =	sadd.s32 $0x1400, s0  }
0xc: {  	[dreg:$0x5] =	wrdreg s26;
	s26 =	simm.s32 $0x9880;
	s4 =	sor.u32 s6, s4  }
0xd: {  	s8 =	sshrl.u32 s23, $0x1;
	s7 =	sadd.s32 s4, s0;
	s9 =	smul.u32 $0x300, s4  }
0xe: {  	s6 =	ssub.s32 s23, s8;
	s4 =	sadd.s32 $0x1500, s0;
	s8 =	simm.s32 $0x80  }
0xf: {  	s23 =	simm.s32 $0x8080;
	s24 =	sadd.s32 $0x1200, s7;
	s6 =	smax.u32 s6, $0x1  }
0x10: {  	v2 =	vlaneseq.u32;
	s7 =	simm.s32 $0x2;
	[dreg:$0x3] =	wrdreg s24;
	s25 =	sadd.s32 s5, s9  }
0x11: {  	vm0 =	vmmov $0xffff;
	v1 =	vshrl.u32 v2, $0x3;
	s5 =	sadd.s32 $0x1600, s0;
	s9 =	simm.s32 $0x1080;
	s24 =	simm.s32 $0x8880  }
0x12: {  	v0 =	vand.u32 $0x7, v2;
	v2 =	vor.u32 $0x8, v2;
	v1 =	vmul.u32 $0x8, v1;
	s0 =	simm.s32 $0x1;
	[dreg:$0x4] =	wrdreg s25;
	s25 =	simm.s32 $0x9080  }
.LBB2_1:
0x13: {  	s1 =	rddreg [dreg:$0x3]  }
0x14: {  	[tilespmem:s2], [sflag:$0x2] =	stream.linear.gather [hbm4b:s1+s2], $0x40, $0x38;
	[tilespmem:$0xC080] =	vst v63  }
0x15: {  	_ =	swait.ge [sflag:s7], $0x40  }
0x16: {  	[sflag:s7] =	ssyncset.done $0x0  }
0x17: {  	[sflag:s7] =	ssyncadd.s32 $0xFFFFFFC0  }
0x18: {  	v3 =	vld [tilespmem:$0x0];
	_ =	sdelay $0x4  }
0x19: {  	v4 =	vshrl.u32 v3, $0x3  }
0x1a: {  	v4 =	vmul.u32 $0x30, v4  }
0x1b: {  	v3 =	vand.u32 $0x7, v3  }
0x1c: {  	v3 =	vor.u32 v3, v4  }
0x1d: {  	v4 =	vperm.xlane v3, v0;
	_ =	sdelay $0x1  }
0x1e: {  	v4 =	vadd.s32 v1, v4;
	_ =	sdelay $0x3  }
0x1f: {  	v3 =	vperm.xlane v3, v2  }
0x20: {  	[tilespmem:s8], [sflag:$0x1] =	stream.indirect_vreg.gather [hbm4b:s3+s2], $0x80, v4, vm0, $0xb8;
	[tilespmem:$0xC080] =	vst v63  }
0x21: {  	s1 =	rddreg [dreg:$0x5];
	v3 =	vadd.s32 v1, v3  }
0x22: {  	[tilespmem:s1], [sflag:$0x1] =	stream.indirect_vreg.gather [hbm4b:s4+s2], $0x80, v4, vm0, $0xb8;
	[tilespmem:$0xC080] =	vst v63  }
0x23: {  	_ = 	snop  }
0x24: {  	[tilespmem:s9], [sflag:$0x1] =	stream.indirect_vreg.gather [hbm4b:s5+s2], $0x80, v4, vm0, $0xb8;
	[tilespmem:$0xC080] =	vst v63  }
0x25: {  	_ = 	snop  }
0x26: {  	[tilespmem:s10], [sflag:$0x1] =	stream.indirect_vreg.gather [hbm4b:s3+s2], $0x80, v3, vm0, $0xb8;
	[tilespmem:$0xC080] =	vst v63  }
0x27: {  	_ = 	snop  }
0x28: {  	[tilespmem:s11], [sflag:$0x1] =	stream.indirect_vreg.gather [hbm4b:s4+s2], $0x80, v3, vm0, $0xb8;
	[tilespmem:$0xC080] =	vst v63  }
0x29: {  	_ = 	snop  }
0x2a: {  	[tilespmem:s12], [sflag:$0x1] =	stream.indirect_vreg.gather [hbm4b:s5+s2], $0x80, v3, vm0, $0xb8;
	[tilespmem:$0xC080] =	vst v63  }
0x2b: {  	v3 =	vld [tilespmem:$0x10];
	_ =	sdelay $0x4  }
0x2c: {  	v61 =	vshrl.u32 v3, $0x3  }
0x2d: {  	v4 =	vmul.u32 $0x30, v61  }
0x2e: {  	v3 =	vand.u32 $0x7, v3  }
0x2f: {  	v3 =	vor.u32 v3, v4  }
0x30: {  	v4 =	vperm.xlane v3, v0;
	_ =	sdelay $0x1  }
0x31: {  	v4 =	vadd.s32 v1, v4;
	_ =	sdelay $0x3  }
0x32: {  	v3 =	vperm.xlane v3, v2  }
0x33: {  	[tilespmem:s13], [sflag:$0x1] =	stream.indirect_vreg.gather [hbm4b:s3+s2], $0x80, v4, vm0, $0xb8;
	[tilespmem:$0xC080] =	vst v63  }
0x34: {  	v3 =	vadd.s32 v1, v3  }
0x35: {  	[tilespmem:s14], [sflag:$0x1] =	stream.indirect_vreg.gather [hbm4b:s4+s2], $0x80, v4, vm0, $0xb8;
	[tilespmem:$0xC080] =	vst v63  }
0x36: {  	_ = 	snop  }
0x37: {  	[tilespmem:s15], [sflag:$0x1] =	stream.indirect_vreg.gather [hbm4b:s5+s2], $0x80, v4, vm0, $0xb8;
	[tilespmem:$0xC080] =	vst v63  }
0x38: {  	_ = 	snop  }
0x39: {  	[tilespmem:s16], [sflag:$0x1] =	stream.indirect_vreg.gather [hbm4b:s3+s2], $0x80, v3, vm0, $0xb8;
	[tilespmem:$0xC080] =	vst v63  }
0x3a: {  	_ = 	snop  }
0x3b: {  	[tilespmem:s17], [sflag:$0x1] =	stream.indirect_vreg.gather [hbm4b:s4+s2], $0x80, v3, vm0, $0xb8;
	[tilespmem:$0xC080] =	vst v63  }
0x3c: {  	_ = 	snop  }
0x3d: {  	[tilespmem:s18], [sflag:$0x1] =	stream.indirect_vreg.gather [hbm4b:s5+s2], $0x80, v3, vm0, $0xb8;
	[tilespmem:$0xC080] =	vst v63  }
0x3e: {  	v3 =	vld [tilespmem:$0x20];
	_ =	sdelay $0x4  }
0x3f: {  	v62 =	vshrl.u32 v3, $0x3  }
0x40: {  	v4 =	vmul.u32 $0x30, v62  }
0x41: {  	v3 =	vand.u32 $0x7, v3  }
0x42: {  	v3 =	vor.u32 v3, v4  }
0x43: {  	v4 =	vperm.xlane v3, v0;
	_ =	sdelay $0x1  }
0x44: {  	v4 =	vadd.s32 v1, v4;
	_ =	sdelay $0x3  }
0x45: {  	v3 =	vperm.xlane v3, v2  }
0x46: {  	[tilespmem:s19], [sflag:$0x1] =	stream.indirect_vreg.gather [hbm4b:s3+s2], $0x80, v4, vm0, $0xb8;
	[tilespmem:$0xC080] =	vst v63  }
0x47: {  	v3 =	vadd.s32 v1, v3  }
0x48: {  	[tilespmem:s20], [sflag:$0x1] =	stream.indirect_vreg.gather [hbm4b:s4+s2], $0x80, v4, vm0, $0xb8;
	[tilespmem:$0xC080] =	vst v63  }
0x49: {  	_ = 	snop  }
0x4a: {  	[tilespmem:s21], [sflag:$0x1] =	stream.indirect_vreg.gather [hbm4b:s5+s2], $0x80, v4, vm0, $0xb8;
	[tilespmem:$0xC080] =	vst v63  }
0x4b: {  	_ = 	snop  }
0x4c: {  	[tilespmem:s22], [sflag:$0x1] =	stream.indirect_vreg.gather [hbm4b:s3+s2], $0x80, v3, vm0, $0xb8;
	[tilespmem:$0xC080] =	vst v63  }
0x4d: {  	_ = 	snop  }
0x4e: {  	[tilespmem:s23], [sflag:$0x1] =	stream.indirect_vreg.gather [hbm4b:s4+s2], $0x80, v3, vm0, $0xb8;
	[tilespmem:$0xC080] =	vst v63  }
0x4f: {  	_ = 	snop  }
0x50: {  	[tilespmem:s24], [sflag:$0x1] =	stream.indirect_vreg.gather [hbm4b:s5+s2], $0x80, v3, vm0, $0xb8;
	[tilespmem:$0xC080] =	vst v63  }
0x51: {  	v3 =	vld [tilespmem:$0x30];
	_ =	sdelay $0x4  }
0x52: {  	v63 =	vshrl.u32 v3, $0x3  }
0x53: {  	v4 =	vmul.u32 $0x30, v63  }
0x54: {  	v3 =	vand.u32 $0x7, v3  }
0x55: {  	v3 =	vor.u32 v3, v4  }
0x56: {  	v4 =	vperm.xlane v3, v0;
	_ =	sdelay $0x1  }
0x57: {  	v4 =	vadd.s32 v1, v4;
	_ =	sdelay $0x3  }
0x58: {  	v3 =	vperm.xlane v3, v2  }
0x59: {  	[tilespmem:s25], [sflag:$0x1] =	stream.indirect_vreg.gather [hbm4b:s3+s2], $0x80, v4, vm0, $0xb8;
	[tilespmem:$0xC080] =	vst v63  }
0x5a: {  	v3 =	vadd.s32 v1, v3  }
0x5b: {  	[tilespmem:s26], [sflag:$0x1] =	stream.indirect_vreg.gather [hbm4b:s4+s2], $0x80, v4, vm0, $0xb8;
	[tilespmem:$0xC080] =	vst v63  }
0x5c: {  	_ = 	snop  }
0x5d: {  	[tilespmem:s28], [sflag:$0x1] =	stream.indirect_vreg.gather [hbm4b:s5+s2], $0x80, v4, vm0, $0xb8;
	[tilespmem:$0xC080] =	vst v63  }
0x5e: {  	_ = 	snop  }
0x5f: {  	[tilespmem:s29], [sflag:$0x1] =	stream.indirect_vreg.gather [hbm4b:s3+s2], $0x80, v3, vm0, $0xb8;
	[tilespmem:$0xC080] =	vst v63  }
0x60: {  	_ = 	snop  }
0x61: {  	[tilespmem:s30], [sflag:$0x1] =	stream.indirect_vreg.gather [hbm4b:s4+s2], $0x80, v3, vm0, $0xb8;
	[tilespmem:$0xC080] =	vst v63  }
0x62: {  	_ = 	snop  }
0x63: {  	[tilespmem:s31], [sflag:$0x1] =	stream.indirect_vreg.gather [hbm4b:s5+s2], $0x80, v3, vm0, $0xb8;
	[tilespmem:$0xC080] =	vst v63  }
0x64: {  	_ =	swait.ge [sflag:s0], $0xC000  }
0x65: {  	p0 =	sne.s32 s6, $0x1;
	[sflag:s0] =	ssyncset.done $0x0  }
.Ltmp0:
0x66: {  	s1 =	rddreg [dreg:$0x4];
	[sflag:s0] =	ssyncadd.s32 $0xFFFF4000;
	(pc) =	sbr.rel @p0 .LBB2_1-.Ltmp0, $4  }
0x67: {  	[hbm4b:s1+s2] =	stream.linear.scatter [tilespmem:s8], [sflag:$0x2], $0xC000, $0x38;
	[tilespmem:$0xC080] =	vst v63  }
0x68: {  	_ =	swait.ge [sflag:s7], $0xC000  }
0x69: {  	[sflag:s7] =	ssyncset.done $0x0  }
0x6a: {  	s6 =	sadd.s32 $0xFFFFFFFF, s6;
	[sflag:s7] =	ssyncadd.s32 $0xFFFF4000  }
0x6b: {  	_ =	sfence.sel $0x180000  }
0x6c: {  	[bflag:$0x0] =	sbarrier.arrive $0xFFFF  }
0x6d: {  	_ =	strace $0x9000004A  }
0x6e: {  	s0 =	stileid.u32;
	[bflag:$0x2] =	sbarrier.arrive $0xFFFF  }
0x6f: {  	p0 =	sne.s32 s0, $0x0;
	s0 =	rddreg [dreg:$0x2]  }
0x70: {  	s0 =	sadd.s32 @!p0 $0x100000, s0  }
0x71: {  	[sflag:s0] =	ssyncadd.tile.s32 @!p0 $0x1;
	_ =	shalt  }
.Lfunc_end2:
_tile_overlayer_lowered:
.L_overlay_start_2:
0x72: {  	(tag) =	ssettag $0x2  }
0x73: {  	s0 =	rddreg [dreg:$0x0];
	s2 =	stileid.u32  }
0x74: {  	s1 =	rddreg [dreg:$0x1];
	p0 =	sne.s32 s2, $0x0  }
0x75: {  	s3 =	rddreg [dreg:$0x2];
	[bflag:$0x3] =	sbarrier.arrive $0xFFFF;
	s2 =	simm.s32 @!p0 $0x1C02  }
0x76: {  	[timem:s3], [sflag:s2] =	dma.local @!p0 [hbm:s0], s1  }
0x77: {  	s0 =	simm.s32 @!p0 $0x2  }
0x78: {  	_ =	swait.ge @!p0 [sflag:s0], s1  }
0x79: {  	s1 =	ssub.s32 @!p0 $0x0, s1;
	[sflag:s0] =	ssyncset.done @!p0 $0x0  }
0x7a: {  	[sflag:s0] =	ssyncadd.s32 @!p0 s1  }
0x7b: {  	[bflag:$0x3] =	sbarrier.arrive $0xFFFF  }
0x7c: {  	_ =	shalt  }

</sc_bundles>
